<compile_context>
chip_gen: v7x
topology: tpu7x:2x2x1
jax: 0.10.2.dev20260603
libtpu: 0.0.44.dev20260713+nightly
codegen_flags: <defaults>
</compile_context>

<pallas_src>
import functools
import math

import jax
import jax.numpy as jnp
from jax import lax
from jax.experimental import pallas as pl
from jax.experimental.pallas import tpu as pltpu
from jax.experimental.pallas import tpu_sc as plsc

_D = 768
_NB = 32
_CR = 16
_NG = _D // 16
_NEG2LOG = -2.0 * math.log(10000.0) / _D


def _tables_body(pq_ref, bb_ref):
    na = pq_ref.shape[1]
    d = lax.broadcasted_iota(jnp.int32, (na, _D), 1)
    inv_freq = jnp.exp((d // 2).astype(jnp.float32) * _NEG2LOG)
    a = lax.broadcasted_iota(jnp.int32, (na, _D), 0).astype(jnp.float32)
    big_ang = (a * float(_NB)) * inv_freq
    pq_ref[0] = jnp.sin(big_ang)
    pq_ref[1] = jnp.sin(big_ang + math.pi / 2.0)

    nb = bb_ref.shape[1]
    db = lax.broadcasted_iota(jnp.int32, (nb, _D), 1)
    inv_freq_b = jnp.exp((db // 2).astype(jnp.float32) * _NEG2LOG)
    parity = (db % 2).astype(jnp.float32)
    b = lax.broadcasted_iota(jnp.int32, (nb, _D), 0).astype(jnp.float32)
    small_ang = b * inv_freq_b + parity * (math.pi / 2.0)
    bb_ref[0] = jnp.sin(small_ang)
    bb_ref[1] = jnp.sin(small_ang + math.pi / 2.0)


def _make_sc_tables(sc_rows):
    na = sc_rows // _NB
    return pl.pallas_call(
        _tables_body,
        out_shape=(
            jax.ShapeDtypeStruct((2, na, _D), jnp.float32),
            jax.ShapeDtypeStruct((2, _NB, _D), jnp.float32),
        ),
    )()


def _sc_add(emb, pq, bb, nrows):
    napw = nrows // (16 * _NB)
    n_chunks = napw
    gstride = nrows // 16
    ring = min(4, n_chunks)

    mesh = plsc.VectorSubcoreMesh(core_axis_name="c", subcore_axis_name="s")

    @functools.partial(
        pl.kernel,
        out_type=jax.ShapeDtypeStruct((nrows, _D), jnp.float32),
        mesh=mesh,
        scratch_types=[
            pltpu.VMEM((2, napw, _D), jnp.float32),
            pltpu.VMEM((2, _CR, _D), jnp.float32),
            pltpu.VMEM((_CR, _D), jnp.float32),
            pltpu.VMEM((_CR, _D), jnp.float32),
            pltpu.VMEM((_CR, _D), jnp.float32),
            pltpu.VMEM((_CR, _D), jnp.float32),
            pltpu.VMEM((_CR, _D), jnp.float32),
            pltpu.VMEM((_CR, _D), jnp.float32),
            pltpu.SemaphoreType.DMA,
            pltpu.SemaphoreType.DMA,
            pltpu.SemaphoreType.DMA,
            pltpu.SemaphoreType.DMA,
            pltpu.SemaphoreType.DMA,
            pltpu.SemaphoreType.DMA,
            pltpu.SemaphoreType.DMA,
            pltpu.SemaphoreType.DMA,
        ],
    )
    def k(emb_hbm, pq_hbm, bb_hbm, out_hbm,
          pq_v, bb_v, in0, in1, in2, in3, out0, out1,
          isem0, isem1, isem2, isem3, osem0, osem1, tsem0, tsem1):
        cid = lax.axis_index("c")
        sid = lax.axis_index("s")
        wid = sid * 2 + cid
        g = wid // 2
        h = wid % 2
        base = g * gstride + h * _CR

        ins = (in0, in1, in2, in3)
        isems = (isem0, isem1, isem2, isem3)
        outs = (out0, out1)
        osems = (osem0, osem1)

        def in_copy(ci, buf, sem):
            return pltpu.make_async_copy(
                emb_hbm.at[pl.ds(base + ci * _NB, _CR)], buf, sem)

        def out_copy(ci, buf, sem):
            return pltpu.make_async_copy(
                buf, out_hbm.at[pl.ds(base + ci * _NB, _CR)], sem)

        for kk in range(ring):
            in_copy(kk, ins[kk], isems[kk]).start()
        tc_pq = pltpu.make_async_copy(
            pq_hbm.at[:, pl.ds(g * napw, napw), :], pq_v, tsem0)
        tc_bb = pltpu.make_async_copy(
            bb_hbm.at[:, pl.ds(h * _CR, _CR), :], bb_v, tsem1)
        tc_pq.start()
        tc_bb.start()
        tc_pq.wait()
        tc_bb.wait()

        for ci in range(n_chunks):
            in_b = ins[ci % 4]
            out_b = outs[ci % 2]
            osem = osems[ci % 2]
            in_copy(ci, in_b, isems[ci % 4]).wait()
            if ci >= 2:
                out_copy(ci - 2, out_b, osem).wait()

            @pl.loop(0, _NG)
            def _group(gg):
                sl = pl.ds(gg * 16, 16)
                p = pq_v[0, ci, sl]
                qv = pq_v[1, ci, sl]
                for r in range(_CR):
                    out_b[r, sl] = (in_b[r, sl]
                                    + p * bb_v[1, r, sl]
                                    + qv * bb_v[0, r, sl])

            out_copy(ci, out_b, osem).start()
            if ci + 4 < n_chunks:
                in_copy(ci + 4, in_b, isems[ci % 4]).start()

        for ci in range(max(0, n_chunks - 2), n_chunks):
            out_copy(ci, outs[ci % 2], osems[ci % 2]).wait()

    return k(emb, pq, bb)


_ROWS_PER_BLOCK = 512
_A_PER_BLOCK = _ROWS_PER_BLOCK // _NB
_SC_ROWS = 512


def _tc_full(emb, pq, bb, seq_len):
    nblk = seq_len // _ROWS_PER_BLOCK
    na = pq.shape[1]

    def body(emb_ref, pq_ref, bb_ref, o_ref):
        i = pl.program_id(0)
        a0 = i * _A_PER_BLOCK
        p = pq_ref[0, pl.ds(a0, _A_PER_BLOCK), :][:, None, :]
        q = pq_ref[1, pl.ds(a0, _A_PER_BLOCK), :][:, None, :]
        sb = bb_ref[0][None, :, :]
        cb = bb_ref[1][None, :, :]
        emb3 = emb_ref[...].reshape(_A_PER_BLOCK, _NB, _D)
        out3 = emb3 + p * cb + q * sb
        o_ref[...] = out3.reshape(_ROWS_PER_BLOCK, _D)

    return pl.pallas_call(
        body,
        grid=(nblk,),
        in_specs=[
            pl.BlockSpec((_ROWS_PER_BLOCK, _D), lambda i: (i, 0)),
            pl.BlockSpec((2, na, _D), lambda i: (0, 0, 0)),
            pl.BlockSpec((2, _NB, _D), lambda i: (0, 0, 0)),
        ],
        out_specs=pl.BlockSpec((_ROWS_PER_BLOCK, _D), lambda i: (i, 0)),
        out_shape=jax.ShapeDtypeStruct((seq_len, _D), jnp.float32),
        compiler_params=pltpu.CompilerParams(
            dimension_semantics=("parallel",)),
    )(emb, pq, bb)


def kernel(x, emb_table):
    seq_len = x.shape[1]
    pq, bb = _make_sc_tables(seq_len)
    tc_out = _tc_full(emb_table, pq, bb, seq_len)
    sc_out = _sc_add(emb_table, pq, bb, _SC_ROWS)
    out = lax.dynamic_update_slice(tc_out, sc_out, (0, 0))
    return out[None]

# --- scband reference (transcript-rebuilt; emitter-appended) ---
"""Pipeline reference for scband-positional-encoding-22076131901624 (READ-ONLY COPY).

The authoritative reference and input builder live on the scoring server;
editing this copy changes nothing except your own understanding.
"""

import jax, jax.numpy as jnp
import numpy as np

D_MODEL = 768
MAX_SEQ_LEN = 8192


def create_positional_encoding(max_seq_len, d_model):
    position = jnp.arange(0, max_seq_len, dtype=jnp.float32)[:, None]
    div_term = jnp.exp(jnp.arange(0, d_model, 2).astype(jnp.float32) * (-jnp.log(10000.0) / d_model))
    angles = position * div_term  # [L, d_model//2]
    pe = jnp.zeros((max_seq_len, d_model), dtype=jnp.float32)
    pe = pe.at[:, 0::2].set(jnp.sin(angles))
    pe = pe.at[:, 1::2].set(jnp.cos(angles))
    return pe[None]  # [1, L, d_model]


def setup_inputs(seed: int = 0) -> dict:
    key = jax.random.key(seed)
    k1, k2 = jax.random.split(key)
    x = jax.random.normal(k1, (2, 8192, D_MODEL), dtype=jnp.float32)
    emb_table = jax.random.normal(k2, (MAX_SEQ_LEN, D_MODEL), dtype=jnp.float32)
    return {"x": x, "emb_table": emb_table}


def reference(x, emb_table):
    seq_len = x.shape[1]
    pe = create_positional_encoding(MAX_SEQ_LEN, D_MODEL)
    idx = jnp.arange(seq_len)
    looked_up = jnp.take(emb_table, idx, axis=0)  # [seq_len, d_model]
    return looked_up + pe[:, :seq_len, :]  # broadcast -> [1, seq_len, d_model]

if __name__ == "__main__":
    import jax
    _d = setup_inputs()
    print(jax.jit(kernel)(*tuple(_d.values())))

</pallas_src>

<mosaic_0001>
#map = affine_map<(d0, d1) -> (0, 0)>
#map1 = affine_map<(d0, d1) -> (0, 0, 0)>
module attributes {stable_mosaic.version = 14 : i64} {
  func.func @k(%arg0: i32, %arg1: i32, %arg2: memref<8192x768xf32, #tpu.memory_space<hbm>>, %arg3: memref<2x256x768xf32, #tpu.memory_space<hbm>>, %arg4: memref<2x32x768xf32, #tpu.memory_space<hbm>>, %arg5: memref<512x768xf32, #tpu.memory_space<hbm>>, %arg6: memref<2x1x768xf32, #tpu.memory_space<vmem>>, %arg7: memref<2x16x768xf32, #tpu.memory_space<vmem>>, %arg8: memref<16x768xf32, #tpu.memory_space<vmem>>, %arg9: memref<16x768xf32, #tpu.memory_space<vmem>>, %arg10: memref<16x768xf32, #tpu.memory_space<vmem>>, %arg11: memref<16x768xf32, #tpu.memory_space<vmem>>, %arg12: memref<16x768xf32, #tpu.memory_space<vmem>>, %arg13: memref<16x768xf32, #tpu.memory_space<vmem>>, %arg14: memref<!tpu.dma_semaphore, #tpu.memory_space<semaphore_mem>>, %arg15: memref<!tpu.dma_semaphore, #tpu.memory_space<semaphore_mem>>, %arg16: memref<!tpu.dma_semaphore, #tpu.memory_space<semaphore_mem>>, %arg17: memref<!tpu.dma_semaphore, #tpu.memory_space<semaphore_mem>>, %arg18: memref<!tpu.dma_semaphore, #tpu.memory_space<semaphore_mem>>, %arg19: memref<!tpu.dma_semaphore, #tpu.memory_space<semaphore_mem>>, %arg20: memref<!tpu.dma_semaphore, #tpu.memory_space<semaphore_mem>>, %arg21: memref<!tpu.dma_semaphore, #tpu.memory_space<semaphore_mem>>) attributes {dimension_semantics = [#tpu.dimension_semantics<core_parallel>, #tpu.dimension_semantics<subcore_parallel>], iteration_bounds = array<i64: 2, 16>, scalar_prefetch = 0 : i64, scratch_operands = 16 : i64, tpu.core_type = #tpu.core_type<sc_vector_subcore>, window_params = [{transform_indices = #map}, {transform_indices = #map1}, {transform_indices = #map1}, {transform_indices = #map}]} {
    %mul3A = arith.constant 2 : i32
    %mul3A_0 = arith.muli %arg1, %mul3A : i32
    %add3A = arith.addi %mul3A_0, %arg0 : i32
    %jit3A = arith.constant 2 : i32
    %div3A = arith.divsi %add3A, %jit3A : i32
    %sign3A = arith.constant 0 : i32
    %sign3A_1 = arith.cmpi sgt, %add3A, %sign3A : i32
    %sign3A_2 = arith.extui %sign3A_1 : i1 to i32
    %sign3A_3 = arith.constant 0 : i32
    %sign3A_4 = arith.cmpi slt, %add3A, %sign3A_3 : i32
    %sign3A_5 = arith.extui %sign3A_4 : i1 to i32
    %sign3A_6 = arith.subi %sign3A_2, %sign3A_5 : i32
    %sign3A_7 = arith.constant 0 : i32
    %sign3A_8 = arith.cmpi sgt, %jit3A, %sign3A_7 : i32
    %sign3A_9 = arith.extui %sign3A_8 : i1 to i32
    %sign3A_10 = arith.constant 0 : i32
    %sign3A_11 = arith.cmpi slt, %jit3A, %sign3A_10 : i32
    %sign3A_12 = arith.extui %sign3A_11 : i1 to i32
    %sign3A_13 = arith.subi %sign3A_9, %sign3A_12 : i32
    %ne3A = arith.cmpi ne, %sign3A_6, %sign3A_13 : i32
    %rem3A = arith.remsi %add3A, %jit3A : i32
    %ne3A_14 = arith.constant 0 : i32
    %ne3A_15 = arith.cmpi ne, %rem3A, %ne3A_14 : i32
    %and3A = arith.andi %ne3A, %ne3A_15 : i1
    %sub3A = arith.constant 1 : i32
    %sub3A_16 = arith.subi %div3A, %sub3A : i32
    %select_n3A = arith.select %and3A, %sub3A_16, %div3A : i32
    %jit3A_17 = arith.constant 2 : i32
    %eq3A = arith.constant 0 : i32
    %eq3A_18 = arith.cmpi eq, %jit3A_17, %eq3A : i32
    %jit3A_19 = arith.constant 1 : i32
    %select_n3A_20 = arith.select %eq3A_18, %jit3A_19, %jit3A_17 : i32
    %rem3A_21 = arith.remsi %add3A, %select_n3A_20 : i32
    %ne3A_22 = arith.constant 0 : i32
    %ne3A_23 = arith.cmpi ne, %rem3A_21, %ne3A_22 : i32
    %lt3A = arith.constant 0 : i32
    %lt3A_24 = arith.cmpi slt, %rem3A_21, %lt3A : i32
    %lt3A_25 = arith.constant 0 : i32
    %lt3A_26 = arith.cmpi slt, %select_n3A_20, %lt3A_25 : i32
    %ne3A_27 = arith.xori %lt3A_24, %lt3A_26 : i1
    %and3A_28 = arith.andi %ne3A_27, %ne3A_23 : i1
    %add3A_29 = arith.addi %rem3A_21, %select_n3A_20 : i32
    %select_n3A_30 = arith.select %and3A_28, %add3A_29, %rem3A_21 : i32
    %mul3A_31 = arith.constant 32 : i32
    %mul3A_32 = arith.muli %select_n3A, %mul3A_31 : i32
    %mul3A_33 = arith.constant 16 : i32
    %mul3A_34 = arith.muli %select_n3A_30, %mul3A_33 : i32
    %add3A_35 = arith.addi %mul3A_32, %mul3A_34 : i32
    %add3A_36 = arith.constant 0 : i32
    %add3A_37 = arith.addi %add3A_35, %add3A_36 : i32
    %dma_start3A = arith.constant 0 : i32
    %dma_start3A_38 = tpu.memref_slice %arg2[%add3A_37, %dma_start3A] : memref<8192x768xf32, #tpu.memory_space<hbm>> -> memref<16x768xf32, #tpu.memory_space<hbm>>
    %dma_start3A_39 = arith.constant 0 : i32
    %dma_start3A_40 = tpu.memref_slice %arg2[%add3A_37, %dma_start3A_39] : memref<8192x768xf32, #tpu.memory_space<hbm>> -> memref<16x768xf32, #tpu.memory_space<hbm>>
    tpu.enqueue_dma source(%dma_start3A_40 : memref<16x768xf32, #tpu.memory_space<hbm>>) target(%arg8 : memref<16x768xf32, #tpu.memory_space<vmem>>) target_semaphore(%arg14 : memref<!tpu.dma_semaphore, #tpu.memory_space<semaphore_mem>>)
    %mul3A_41 = arith.constant 1 : i32
    %mul3A_42 = arith.muli %select_n3A, %mul3A_41 : i32
    %mul3A_43 = arith.constant 16 : i32
    %mul3A_44 = arith.muli %select_n3A_30, %mul3A_43 : i32
    %dma_start3A_45 = arith.constant 0 : i32
    %dma_start3A_46 = arith.constant 0 : i32
    %dma_start3A_47 = tpu.memref_slice %arg3[%dma_start3A_45, %mul3A_42, %dma_start3A_46] : memref<2x256x768xf32, #tpu.memory_space<hbm>> -> memref<2x1x768xf32, #tpu.memory_space<hbm>>
    %dma_start3A_48 = arith.constant 0 : i32
    %dma_start3A_49 = arith.constant 0 : i32
    %dma_start3A_50 = tpu.memref_slice %arg3[%dma_start3A_48, %mul3A_42, %dma_start3A_49] : memref<2x256x768xf32, #tpu.memory_space<hbm>> -> memref<2x1x768xf32, #tpu.memory_space<hbm>>
    tpu.enqueue_dma source(%dma_start3A_50 : memref<2x1x768xf32, #tpu.memory_space<hbm>>) target(%arg6 : memref<2x1x768xf32, #tpu.memory_space<vmem>>) target_semaphore(%arg20 : memref<!tpu.dma_semaphore, #tpu.memory_space<semaphore_mem>>)
    %dma_start3A_51 = arith.constant 0 : i32
    %dma_start3A_52 = arith.constant 0 : i32
    %dma_start3A_53 = tpu.memref_slice %arg4[%dma_start3A_51, %mul3A_44, %dma_start3A_52] : memref<2x32x768xf32, #tpu.memory_space<hbm>> -> memref<2x16x768xf32, #tpu.memory_space<hbm>>
    %dma_start3A_54 = arith.constant 0 : i32
    %dma_start3A_55 = arith.constant 0 : i32
    %dma_start3A_56 = tpu.memref_slice %arg4[%dma_start3A_54, %mul3A_44, %dma_start3A_55] : memref<2x32x768xf32, #tpu.memory_space<hbm>> -> memref<2x16x768xf32, #tpu.memory_space<hbm>>
    tpu.enqueue_dma source(%dma_start3A_56 : memref<2x16x768xf32, #tpu.memory_space<hbm>>) target(%arg7 : memref<2x16x768xf32, #tpu.memory_space<vmem>>) target_semaphore(%arg21 : memref<!tpu.dma_semaphore, #tpu.memory_space<semaphore_mem>>)
    %dma_wait3A = arith.constant 0 : i32
    %dma_wait3A_57 = arith.constant 0 : i32
    %dma_wait3A_58 = tpu.memref_slice %arg3[%dma_wait3A, %mul3A_42, %dma_wait3A_57] : memref<2x256x768xf32, #tpu.memory_space<hbm>> -> memref<2x1x768xf32, #tpu.memory_space<hbm>>
    %dma_wait3A_59 = arith.constant 0 : i32
    %dma_wait3A_60 = arith.constant 0 : i32
    %dma_wait3A_61 = tpu.memref_slice %arg3[%dma_wait3A_59, %mul3A_42, %dma_wait3A_60] : memref<2x256x768xf32, #tpu.memory_space<hbm>> -> memref<2x1x768xf32, #tpu.memory_space<hbm>>
    tpu.wait_dma2 semaphore(%arg20 : memref<!tpu.dma_semaphore, #tpu.memory_space<semaphore_mem>>) src(%dma_wait3A_61 : memref<2x1x768xf32, #tpu.memory_space<hbm>>) dst(%arg6 : memref<2x1x768xf32, #tpu.memory_space<vmem>>)
    %dma_wait3A_62 = arith.constant 0 : i32
    %dma_wait3A_63 = arith.constant 0 : i32
    %dma_wait3A_64 = tpu.memref_slice %arg4[%dma_wait3A_62, %mul3A_44, %dma_wait3A_63] : memref<2x32x768xf32, #tpu.memory_space<hbm>> -> memref<2x16x768xf32, #tpu.memory_space<hbm>>
    %dma_wait3A_65 = arith.constant 0 : i32
    %dma_wait3A_66 = arith.constant 0 : i32
    %dma_wait3A_67 = tpu.memref_slice %arg4[%dma_wait3A_65, %mul3A_44, %dma_wait3A_66] : memref<2x32x768xf32, #tpu.memory_space<hbm>> -> memref<2x16x768xf32, #tpu.memory_space<hbm>>
    tpu.wait_dma2 semaphore(%arg21 : memref<!tpu.dma_semaphore, #tpu.memory_space<semaphore_mem>>) src(%dma_wait3A_67 : memref<2x16x768xf32, #tpu.memory_space<hbm>>) dst(%arg7 : memref<2x16x768xf32, #tpu.memory_space<vmem>>)
    %add3A_68 = arith.constant 0 : i32
    %add3A_69 = arith.addi %add3A_35, %add3A_68 : i32
    %dma_wait3A_70 = arith.constant 0 : i32
    %dma_wait3A_71 = tpu.memref_slice %arg2[%add3A_69, %dma_wait3A_70] : memref<8192x768xf32, #tpu.memory_space<hbm>> -> memref<16x768xf32, #tpu.memory_space<hbm>>
    %dma_wait3A_72 = arith.constant 0 : i32
    %dma_wait3A_73 = tpu.memref_slice %arg2[%add3A_69, %dma_wait3A_72] : memref<8192x768xf32, #tpu.memory_space<hbm>> -> memref<16x768xf32, #tpu.memory_space<hbm>>
    tpu.wait_dma2 semaphore(%arg14 : memref<!tpu.dma_semaphore, #tpu.memory_space<semaphore_mem>>) src(%dma_wait3A_73 : memref<16x768xf32, #tpu.memory_space<hbm>>) dst(%arg8 : memref<16x768xf32, #tpu.memory_space<vmem>>)
    %scan3A = arith.constant 0 : i32
    %scan3A_74 = arith.constant 48 : i32
    %scan3A_75 = arith.addi %scan3A, %scan3A_74 : i32
    %scan3A_76 = arith.constant 1 : i32
    scf.for %scan3A_90 = %scan3A to %scan3A_75 step %scan3A_76  : i32 {
      %mul3A_91 = arith.constant 1 : i32
      %mul3A_92 = arith.muli %scan3A_90, %mul3A_91 : i32
      %add3A_93 = arith.constant 0 : i32
      %add3A_94 = arith.addi %add3A_93, %mul3A_92 : i32
      %mul3A_95 = arith.constant 16 : i32
      %mul3A_96 = arith.muli %add3A_94, %mul3A_95 : i32
      %get3A = arith.constant 0 : i32
      %get3A_97 = arith.constant 0 : i32
      %get3A_98 = arith.index_cast %get3A : i32 to index
      %get3A_99 = arith.index_cast %get3A_97 : i32 to index
      %get3A_100 = arith.index_cast %mul3A_96 : i32 to index
      %get3A_101 = tpu.vector_load %arg6[%get3A_98, %get3A_99, %get3A_100] {strides = array<i32>} : memref<2x1x768xf32, #tpu.memory_space<vmem>>, vector<1x1x16xf32>,
      %get3A_102 = vector.shape_cast %get3A_101 : vector<1x1x16xf32> to vector<16xf32>
      %get3A_103 = arith.constant 1 : i32
      %get3A_104 = arith.constant 0 : i32
      %get3A_105 = arith.index_cast %get3A_103 : i32 to index
      %get3A_106 = arith.index_cast %get3A_104 : i32 to index
      %get3A_107 = arith.index_cast %mul3A_96 : i32 to index
      %get3A_108 = tpu.vector_load %arg6[%get3A_105, %get3A_106, %get3A_107] {strides = array<i32>} : memref<2x1x768xf32, #tpu.memory_space<vmem>>, vector<1x1x16xf32>,
      %get3A_109 = vector.shape_cast %get3A_108 : vector<1x1x16xf32> to vector<16xf32>
      %get3A_110 = arith.constant 0 : i32
      %get3A_111 = arith.index_cast %get3A_110 : i32 to index
      %get3A_112 = arith.index_cast %mul3A_96 : i32 to index
      %get3A_113 = tpu.vector_load %arg8[%get3A_111, %get3A_112] {strides = array<i32>} : memref<16x768xf32, #tpu.memory_space<vmem>>, vector<1x16xf32>,
      %get3A_114 = vector.shape_cast %get3A_113 : vector<1x16xf32> to vector<16xf32>
      %get3A_115 = arith.constant 1 : i32
      %get3A_116 = arith.constant 0 : i32
      %get3A_117 = arith.index_cast %get3A_115 : i32 to index
      %get3A_118 = arith.index_cast %get3A_116 : i32 to index
      %get3A_119 = arith.index_cast %mul3A_96 : i32 to index
      %get3A_120 = tpu.vector_load %arg7[%get3A_117, %get3A_118, %get3A_119] {strides = array<i32>} : memref<2x16x768xf32, #tpu.memory_space<vmem>>, vector<1x1x16xf32>,
      %get3A_121 = vector.shape_cast %get3A_120 : vector<1x1x16xf32> to vector<16xf32>
      %mul3A_122 = arith.mulf %get3A_102, %get3A_121 : vector<16xf32>
      %add3A_123 = arith.addf %get3A_114, %mul3A_122 : vector<16xf32>
      %get3A_124 = arith.constant 0 : i32
      %get3A_125 = arith.constant 0 : i32
      %get3A_126 = arith.index_cast %get3A_124 : i32 to index
      %get3A_127 = arith.index_cast %get3A_125 : i32 to index
      %get3A_128 = arith.index_cast %mul3A_96 : i32 to index
      %get3A_129 = tpu.vector_load %arg7[%get3A_126, %get3A_127, %get3A_128] {strides = array<i32>} : memref<2x16x768xf32, #tpu.memory_space<vmem>>, vector<1x1x16xf32>,
      %get3A_130 = vector.shape_cast %get3A_129 : vector<1x1x16xf32> to vector<16xf32>
      %mul3A_131 = arith.mulf %get3A_109, %get3A_130 : vector<16xf32>
      %add3A_132 = arith.addf %add3A_123, %mul3A_131 : vector<16xf32>
      %swap3A = arith.constant 0 : i32
      %swap3A_133 = arith.index_cast %swap3A : i32 to index
      %swap3A_134 = arith.index_cast %mul3A_96 : i32 to index
      %swap3A_135 = tpu.vector_load %arg12[%swap3A_133, %swap3A_134] {strides = array<i32>} : memref<16x768xf32, #tpu.memory_space<vmem>>, vector<1x16xf32>,
      %swap3A_136 = vector.shape_cast %swap3A_135 : vector<1x16xf32> to vector<16xf32>
      %swap3A_137 = vector.shape_cast %add3A_132 : vector<16xf32> to vector<1x16xf32>
      tpu.vector_store %arg12[%swap3A_133, %swap3A_134], %swap3A_137 {strides = array<i32>} : memref<16x768xf32, #tpu.memory_space<vmem>>, vector<1x16xf32>,
      %get3A_138 = arith.constant 1 : i32
      %get3A_139 = arith.index_cast %get3A_138 : i32 to index
      %get3A_140 = arith.index_cast %mul3A_96 : i32 to index
      %get3A_141 = tpu.vector_load %arg8[%get3A_139, %get3A_140] {strides = array<i32>} : memref<16x768xf32, #tpu.memory_space<vmem>>, vector<1x16xf32>,
      %get3A_142 = vector.shape_cast %get3A_141 : vector<1x16xf32> to vector<16xf32>
      %get3A_143 = arith.constant 1 : i32
      %get3A_144 = arith.constant 1 : i32
      %get3A_145 = arith.index_cast %get3A_143 : i32 to index
      %get3A_146 = arith.index_cast %get3A_144 : i32 to index
      %get3A_147 = arith.index_cast %mul3A_96 : i32 to index
      %get3A_148 = tpu.vector_load %arg7[%get3A_145, %get3A_146, %get3A_147] {strides = array<i32>} : memref<2x16x768xf32, #tpu.memory_space<vmem>>, vector<1x1x16xf32>,
      %get3A_149 = vector.shape_cast %get3A_148 : vector<1x1x16xf32> to vector<16xf32>
      %mul3A_150 = arith.mulf %get3A_102, %get3A_149 : vector<16xf32>
      %add3A_151 = arith.addf %get3A_142, %mul3A_150 : vector<16xf32>
      %get3A_152 = arith.constant 0 : i32
      %get3A_153 = arith.constant 1 : i32
      %get3A_154 = arith.index_cast %get3A_152 : i32 to index
      %get3A_155 = arith.index_cast %get3A_153 : i32 to index
      %get3A_156 = arith.index_cast %mul3A_96 : i32 to index
      %get3A_157 = tpu.vector_load %arg7[%get3A_154, %get3A_155, %get3A_156] {strides = array<i32>} : memref<2x16x768xf32, #tpu.memory_space<vmem>>, vector<1x1x16xf32>,
      %get3A_158 = vector.shape_cast %get3A_157 : vector<1x1x16xf32> to vector<16xf32>
      %mul3A_159 = arith.mulf %get3A_109, %get3A_158 : vector<16xf32>
      %add3A_160 = arith.addf %add3A_151, %mul3A_159 : vector<16xf32>
      %swap3A_161 = arith.constant 1 : i32
      %swap3A_162 = arith.index_cast %swap3A_161 : i32 to index
      %swap3A_163 = arith.index_cast %mul3A_96 : i32 to index
      %swap3A_164 = tpu.vector_load %arg12[%swap3A_162, %swap3A_163] {strides = array<i32>} : memref<16x768xf32, #tpu.memory_space<vmem>>, vector<1x16xf32>,
      %swap3A_165 = vector.shape_cast %swap3A_164 : vector<1x16xf32> to vector<16xf32>
      %swap3A_166 = vector.shape_cast %add3A_160 : vector<16xf32> to vector<1x16xf32>
      tpu.vector_store %arg12[%swap3A_162, %swap3A_163], %swap3A_166 {strides = array<i32>} : memref<16x768xf32, #tpu.memory_space<vmem>>, vector<1x16xf32>,
      %get3A_167 = arith.constant 2 : i32
      %get3A_168 = arith.index_cast %get3A_167 : i32 to index
      %get3A_169 = arith.index_cast %mul3A_96 : i32 to index
      %get3A_170 = tpu.vector_load %arg8[%get3A_168, %get3A_169] {strides = array<i32>} : memref<16x768xf32, #tpu.memory_space<vmem>>, vector<1x16xf32>,
      %get3A_171 = vector.shape_cast %get3A_170 : vector<1x16xf32> to vector<16xf32>
      %get3A_172 = arith.constant 1 : i32
      %get3A_173 = arith.constant 2 : i32
      %get3A_174 = arith.index_cast %get3A_172 : i32 to index
      %get3A_175 = arith.index_cast %get3A_173 : i32 to index
      %get3A_176 = arith.index_cast %mul3A_96 : i32 to index
      %get3A_177 = tpu.vector_load %arg7[%get3A_174, %get3A_175, %get3A_176] {strides = array<i32>} : memref<2x16x768xf32, #tpu.memory_space<vmem>>, vector<1x1x16xf32>,
      %get3A_178 = vector.shape_cast %get3A_177 : vector<1x1x16xf32> to vector<16xf32>
      %mul3A_179 = arith.mulf %get3A_102, %get3A_178 : vector<16xf32>
      %add3A_180 = arith.addf %get3A_171, %mul3A_179 : vector<16xf32>
      %get3A_181 = arith.constant 0 : i32
      %get3A_182 = arith.constant 2 : i32
      %get3A_183 = arith.index_cast %get3A_181 : i32 to index
      %get3A_184 = arith.index_cast %get3A_182 : i32 to index
      %get3A_185 = arith.index_cast %mul3A_96 : i32 to index
      %get3A_186 = tpu.vector_load %arg7[%get3A_183, %get3A_184, %get3A_185] {strides = array<i32>} : memref<2x16x768xf32, #tpu.memory_space<vmem>>, vector<1x1x16xf32>,
      %get3A_187 = vector.shape_cast %get3A_186 : vector<1x1x16xf32> to vector<16xf32>
      %mul3A_188 = arith.mulf %get3A_109, %get3A_187 : vector<16xf32>
      %add3A_189 = arith.addf %add3A_180, %mul3A_188 : vector<16xf32>
      %swap3A_190 = arith.constant 2 : i32
      %swap3A_191 = arith.index_cast %swap3A_190 : i32 to index
      %swap3A_192 = arith.index_cast %mul3A_96 : i32 to index
      %swap3A_193 = tpu.vector_load %arg12[%swap3A_191, %swap3A_192] {strides = array<i32>} : memref<16x768xf32, #tpu.memory_space<vmem>>, vector<1x16xf32>,
      %swap3A_194 = vector.shape_cast %swap3A_193 : vector<1x16xf32> to vector<16xf32>
      %swap3A_195 = vector.shape_cast %add3A_189 : vector<16xf32> to vector<1x16xf32>
      tpu.vector_store %arg12[%swap3A_191, %swap3A_192], %swap3A_195 {strides = array<i32>} : memref<16x768xf32, #tpu.memory_space<vmem>>, vector<1x16xf32>,
      %get3A_196 = arith.constant 3 : i32
      %get3A_197 = arith.index_cast %get3A_196 : i32 to index
      %get3A_198 = arith.index_cast %mul3A_96 : i32 to index
      %get3A_199 = tpu.vector_load %arg8[%get3A_197, %get3A_198] {strides = array<i32>} : memref<16x768xf32, #tpu.memory_space<vmem>>, vector<1x16xf32>,
      %get3A_200 = vector.shape_cast %get3A_199 : vector<1x16xf32> to vector<16xf32>
      %get3A_201 = arith.constant 1 : i32
      %get3A_202 = arith.constant 3 : i32
      %get3A_203 = arith.index_cast %get3A_201 : i32 to index
      %get3A_204 = arith.index_cast %get3A_202 : i32 to index
      %get3A_205 = arith.index_cast %mul3A_96 : i32 to index
      %get3A_206 = tpu.vector_load %arg7[%get3A_203, %get3A_204, %get3A_205] {strides = array<i32>} : memref<2x16x768xf32, #tpu.memory_space<vmem>>, vector<1x1x16xf32>,
      %get3A_207 = vector.shape_cast %get3A_206 : vector<1x1x16xf32> to vector<16xf32>
      %mul3A_208 = arith.mulf %get3A_102, %get3A_207 : vector<16xf32>
      %add3A_209 = arith.addf %get3A_200, %mul3A_208 : vector<16xf32>
      %get3A_210 = arith.constant 0 : i32
      %get3A_211 = arith.constant 3 : i32
      %get3A_212 = arith.index_cast %get3A_210 : i32 to index
      %get3A_213 = arith.index_cast %get3A_211 : i32 to index
      %get3A_214 = arith.index_cast %mul3A_96 : i32 to index
      %get3A_215 = tpu.vector_load %arg7[%get3A_212, %get3A_213, %get3A_214] {strides = array<i32>} : memref<2x16x768xf32, #tpu.memory_space<vmem>>, vector<1x1x16xf32>,
      %get3A_216 = vector.shape_cast %get3A_215 : vector<1x1x16xf32> to vector<16xf32>
      %mul3A_217 = arith.mulf %get3A_109, %get3A_216 : vector<16xf32>
      %add3A_218 = arith.addf %add3A_209, %mul3A_217 : vector<16xf32>
      %swap3A_219 = arith.constant 3 : i32
      %swap3A_220 = arith.index_cast %swap3A_219 : i32 to index
      %swap3A_221 = arith.index_cast %mul3A_96 : i32 to index
      %swap3A_222 = tpu.vector_load %arg12[%swap3A_220, %swap3A_221] {strides = array<i32>} : memref<16x768xf32, #tpu.memory_space<vmem>>, vector<1x16xf32>,
      %swap3A_223 = vector.shape_cast %swap3A_222 : vector<1x16xf32> to vector<16xf32>
      %swap3A_224 = vector.shape_cast %add3A_218 : vector<16xf32> to vector<1x16xf32>
      tpu.vector_store %arg12[%swap3A_220, %swap3A_221], %swap3A_224 {strides = array<i32>} : memref<16x768xf32, #tpu.memory_space<vmem>>, vector<1x16xf32>,
      %get3A_225 = arith.constant 4 : i32
      %get3A_226 = arith.index_cast %get3A_225 : i32 to index
      %get3A_227 = arith.index_cast %mul3A_96 : i32 to index
      %get3A_228 = tpu.vector_load %arg8[%get3A_226, %get3A_227] {strides = array<i32>} : memref<16x768xf32, #tpu.memory_space<vmem>>, vector<1x16xf32>,
      %get3A_229 = vector.shape_cast %get3A_228 : vector<1x16xf32> to vector<16xf32>
      %get3A_230 = arith.constant 1 : i32
      %get3A_231 = arith.constant 4 : i32
      %get3A_232 = arith.index_cast %get3A_230 : i32 to index
      %get3A_233 = arith.index_cast %get3A_231 : i32 to index
      %get3A_234 = arith.index_cast %mul3A_96 : i32 to index
      %get3A_235 = tpu.vector_load %arg7[%get3A_232, %get3A_233, %get3A_234] {strides = array<i32>} : memref<2x16x768xf32, #tpu.memory_space<vmem>>, vector<1x1x16xf32>,
      %get3A_236 = vector.shape_cast %get3A_235 : vector<1x1x16xf32> to vector<16xf32>
      %mul3A_237 = arith.mulf %get3A_102, %get3A_236 : vector<16xf32>
      %add3A_238 = arith.addf %get3A_229, %mul3A_237 : vector<16xf32>
      %get3A_239 = arith.constant 0 : i32
      %get3A_240 = arith.constant 4 : i32
      %get3A_241 = arith.index_cast %get3A_239 : i32 to index
      %get3A_242 = arith.index_cast %get3A_240 : i32 to index
      %get3A_243 = arith.index_cast %mul3A_96 : i32 to index
      %get3A_244 = tpu.vector_load %arg7[%get3A_241, %get3A_242, %get3A_243] {strides = array<i32>} : memref<2x16x768xf32, #tpu.memory_space<vmem>>, vector<1x1x16xf32>,
      %get3A_245 = vector.shape_cast %get3A_244 : vector<1x1x16xf32> to vector<16xf32>
      %mul3A_246 = arith.mulf %get3A_109, %get3A_245 : vector<16xf32>
      %add3A_247 = arith.addf %add3A_238, %mul3A_246 : vector<16xf32>
      %swap3A_248 = arith.constant 4 : i32
      %swap3A_249 = arith.index_cast %swap3A_248 : i32 to index
      %swap3A_250 = arith.index_cast %mul3A_96 : i32 to index
      %swap3A_251 = tpu.vector_load %arg12[%swap3A_249, %swap3A_250] {strides = array<i32>} : memref<16x768xf32, #tpu.memory_space<vmem>>, vector<1x16xf32>,
      %swap3A_252 = vector.shape_cast %swap3A_251 : vector<1x16xf32> to vector<16xf32>
      %swap3A_253 = vector.shape_cast %add3A_247 : vector<16xf32> to vector<1x16xf32>
      tpu.vector_store %arg12[%swap3A_249, %swap3A_250], %swap3A_253 {strides = array<i32>} : memref<16x768xf32, #tpu.memory_space<vmem>>, vector<1x16xf32>,
      %get3A_254 = arith.constant 5 : i32
      %get3A_255 = arith.index_cast %get3A_254 : i32 to index
      %get3A_256 = arith.index_cast %mul3A_96 : i32 to index
      %get3A_257 = tpu.vector_load %arg8[%get3A_255, %get3A_256] {strides = array<i32>} : memref<16x768xf32, #tpu.memory_space<vmem>>, vector<1x16xf32>,
      %get3A_258 = vector.shape_cast %get3A_257 : vector<1x16xf32> to vector<16xf32>
      %get3A_259 = arith.constant 1 : i32
      %get3A_260 = arith.constant 5 : i32
      %get3A_261 = arith.index_cast %get3A_259 : i32 to index
      %get3A_262 = arith.index_cast %get3A_260 : i32 to index
      %get3A_263 = arith.index_cast %mul3A_96 : i32 to index
      %get3A_264 = tpu.vector_load %arg7[%get3A_261, %get3A_262, %get3A_263] {strides = array<i32>} : memref<2x16x768xf32, #tpu.memory_space<vmem>>, vector<1x1x16xf32>,
      %get3A_265 = vector.shape_cast %get3A_264 : vector<1x1x16xf32> to vector<16xf32>
      %mul3A_266 = arith.mulf %get3A_102, %get3A_265 : vector<16xf32>
      %add3A_267 = arith.addf %get3A_258, %mul3A_266 : vector<16xf32>
      %get3A_268 = arith.constant 0 : i32
      %get3A_269 = arith.constant 5 : i32
      %get3A_270 = arith.index_cast %get3A_268 : i32 to index
      %get3A_271 = arith.index_cast %get3A_269 : i32 to index
      %get3A_272 = arith.index_cast %mul3A_96 : i32 to index
      %get3A_273 = tpu.vector_load %arg7[%get3A_270, %get3A_271, %get3A_272] {strides = array<i32>} : memref<2x16x768xf32, #tpu.memory_space<vmem>>, vector<1x1x16xf32>,
      %get3A_274 = vector.shape_cast %get3A_273 : vector<1x1x16xf32> to vector<16xf32>
      %mul3A_275 = arith.mulf %get3A_109, %get3A_274 : vector<16xf32>
      %add3A_276 = arith.addf %add3A_267, %mul3A_275 : vector<16xf32>
      %swap3A_277 = arith.constant 5 : i32
      %swap3A_278 = arith.index_cast %swap3A_277 : i32 to index
      %swap3A_279 = arith.index_cast %mul3A_96 : i32 to index
      %swap3A_280 = tpu.vector_load %arg12[%swap3A_278, %swap3A_279] {strides = array<i32>} : memref<16x768xf32, #tpu.memory_space<vmem>>, vector<1x16xf32>,
      %swap3A_281 = vector.shape_cast %swap3A_280 : vector<1x16xf32> to vector<16xf32>
      %swap3A_282 = vector.shape_cast %add3A_276 : vector<16xf32> to vector<1x16xf32>
      tpu.vector_store %arg12[%swap3A_278, %swap3A_279], %swap3A_282 {strides = array<i32>} : memref<16x768xf32, #tpu.memory_space<vmem>>, vector<1x16xf32>,
      %get3A_283 = arith.constant 6 : i32
      %get3A_284 = arith.index_cast %get3A_283 : i32 to index
      %get3A_285 = arith.index_cast %mul3A_96 : i32 to index
      %get3A_286 = tpu.vector_load %arg8[%get3A_284, %get3A_285] {strides = array<i32>} : memref<16x768xf32, #tpu.memory_space<vmem>>, vector<1x16xf32>,
      %get3A_287 = vector.shape_cast %get3A_286 : vector<1x16xf32> to vector<16xf32>
      %get3A_288 = arith.constant 1 : i32
      %get3A_289 = arith.constant 6 : i32
      %get3A_290 = arith.index_cast %get3A_288 : i32 to index
      %get3A_291 = arith.index_cast %get3A_289 : i32 to index
      %get3A_292 = arith.index_cast %mul3A_96 : i32 to index
      %get3A_293 = tpu.vector_load %arg7[%get3A_290, %get3A_291, %get3A_292] {strides = array<i32>} : memref<2x16x768xf32, #tpu.memory_space<vmem>>, vector<1x1x16xf32>,
      %get3A_294 = vector.shape_cast %get3A_293 : vector<1x1x16xf32> to vector<16xf32>
      %mul3A_295 = arith.mulf %get3A_102, %get3A_294 : vector<16xf32>
      %add3A_296 = arith.addf %get3A_287, %mul3A_295 : vector<16xf32>
      %get3A_297 = arith.constant 0 : i32
      %get3A_298 = arith.constant 6 : i32
      %get3A_299 = arith.index_cast %get3A_297 : i32 to index
      %get3A_300 = arith.index_cast %get3A_298 : i32 to index
      %get3A_301 = arith.index_cast %mul3A_96 : i32 to index
      %get3A_302 = tpu.vector_load %arg7[%get3A_299, %get3A_300, %get3A_301] {strides = array<i32>} : memref<2x16x768xf32, #tpu.memory_space<vmem>>, vector<1x1x16xf32>,
      %get3A_303 = vector.shape_cast %get3A_302 : vector<1x1x16xf32> to vector<16xf32>
      %mul3A_304 = arith.mulf %get3A_109, %get3A_303 : vector<16xf32>
      %add3A_305 = arith.addf %add3A_296, %mul3A_304 : vector<16xf32>
      %swap3A_306 = arith.constant 6 : i32
      %swap3A_307 = arith.index_cast %swap3A_306 : i32 to index
      %swap3A_308 = arith.index_cast %mul3A_96 : i32 to index
      %swap3A_309 = tpu.vector_load %arg12[%swap3A_307, %swap3A_308] {strides = array<i32>} : memref<16x768xf32, #tpu.memory_space<vmem>>, vector<1x16xf32>,
      %swap3A_310 = vector.shape_cast %swap3A_309 : vector<1x16xf32> to vector<16xf32>
      %swap3A_311 = vector.shape_cast %add3A_305 : vector<16xf32> to vector<1x16xf32>
      tpu.vector_store %arg12[%swap3A_307, %swap3A_308], %swap3A_311 {strides = array<i32>} : memref<16x768xf32, #tpu.memory_space<vmem>>, vector<1x16xf32>,
      %get3A_312 = arith.constant 7 : i32
      %get3A_313 = arith.index_cast %get3A_312 : i32 to index
      %get3A_314 = arith.index_cast %mul3A_96 : i32 to index
      %get3A_315 = tpu.vector_load %arg8[%get3A_313, %get3A_314] {strides = array<i32>} : memref<16x768xf32, #tpu.memory_space<vmem>>, vector<1x16xf32>,
      %get3A_316 = vector.shape_cast %get3A_315 : vector<1x16xf32> to vector<16xf32>
      %get3A_317 = arith.constant 1 : i32
      %get3A_318 = arith.constant 7 : i32
      %get3A_319 = arith.index_cast %get3A_317 : i32 to index
      %get3A_320 = arith.index_cast %get3A_318 : i32 to index
      %get3A_321 = arith.index_cast %mul3A_96 : i32 to index
      %get3A_322 = tpu.vector_load %arg7[%get3A_319, %get3A_320, %get3A_321] {strides = array<i32>} : memref<2x16x768xf32, #tpu.memory_space<vmem>>, vector<1x1x16xf32>,
      %get3A_323 = vector.shape_cast %get3A_322 : vector<1x1x16xf32> to vector<16xf32>
      %mul3A_324 = arith.mulf %get3A_102, %get3A_323 : vector<16xf32>
      %add3A_325 = arith.addf %get3A_316, %mul3A_324 : vector<16xf32>
      %get3A_326 = arith.constant 0 : i32
      %get3A_327 = arith.constant 7 : i32
      %get3A_328 = arith.index_cast %get3A_326 : i32 to index
      %get3A_329 = arith.index_cast %get3A_327 : i32 to index
      %get3A_330 = arith.index_cast %mul3A_96 : i32 to index
      %get3A_331 = tpu.vector_load %arg7[%get3A_328, %get3A_329, %get3A_330] {strides = array<i32>} : memref<2x16x768xf32, #tpu.memory_space<vmem>>, vector<1x1x16xf32>,
      %get3A_332 = vector.shape_cast %get3A_331 : vector<1x1x16xf32> to vector<16xf32>
      %mul3A_333 = arith.mulf %get3A_109, %get3A_332 : vector<16xf32>
      %add3A_334 = arith.addf %add3A_325, %mul3A_333 : vector<16xf32>
      %swap3A_335 = arith.constant 7 : i32
      %swap3A_336 = arith.index_cast %swap3A_335 : i32 to index
      %swap3A_337 = arith.index_cast %mul3A_96 : i32 to index
      %swap3A_338 = tpu.vector_load %arg12[%swap3A_336, %swap3A_337] {strides = array<i32>} : memref<16x768xf32, #tpu.memory_space<vmem>>, vector<1x16xf32>,
      %swap3A_339 = vector.shape_cast %swap3A_338 : vector<1x16xf32> to vector<16xf32>
      %swap3A_340 = vector.shape_cast %add3A_334 : vector<16xf32> to vector<1x16xf32>
      tpu.vector_store %arg12[%swap3A_336, %swap3A_337], %swap3A_340 {strides = array<i32>} : memref<16x768xf32, #tpu.memory_space<vmem>>, vector<1x16xf32>,
      %get3A_341 = arith.constant 8 : i32
      %get3A_342 = arith.index_cast %get3A_341 : i32 to index
      %get3A_343 = arith.index_cast %mul3A_96 : i32 to index
      %get3A_344 = tpu.vector_load %arg8[%get3A_342, %get3A_343] {strides = array<i32>} : memref<16x768xf32, #tpu.memory_space<vmem>>, vector<1x16xf32>,
      %get3A_345 = vector.shape_cast %get3A_344 : vector<1x16xf32> to vector<16xf32>
      %get3A_346 = arith.constant 1 : i32
      %get3A_347 = arith.constant 8 : i32
      %get3A_348 = arith.index_cast %get3A_346 : i32 to index
      %get3A_349 = arith.index_cast %get3A_347 : i32 to index
      %get3A_350 = arith.index_cast %mul3A_96 : i32 to index
      %get3A_351 = tpu.vector_load %arg7[%get3A_348, %get3A_349, %get3A_350] {strides = array<i32>} : memref<2x16x768xf32, #tpu.memory_space<vmem>>, vector<1x1x16xf32>,
      %get3A_352 = vector.shape_cast %get3A_351 : vector<1x1x16xf32> to vector<16xf32>
      %mul3A_353 = arith.mulf %get3A_102, %get3A_352 : vector<16xf32>
      %add3A_354 = arith.addf %get3A_345, %mul3A_353 : vector<16xf32>
      %get3A_355 = arith.constant 0 : i32
      %get3A_356 = arith.constant 8 : i32
      %get3A_357 = arith.index_cast %get3A_355 : i32 to index
      %get3A_358 = arith.index_cast %get3A_356 : i32 to index
      %get3A_359 = arith.index_cast %mul3A_96 : i32 to index
      %get3A_360 = tpu.vector_load %arg7[%get3A_357, %get3A_358, %get3A_359] {strides = array<i32>} : memref<2x16x768xf32, #tpu.memory_space<vmem>>, vector<1x1x16xf32>,
      %get3A_361 = vector.shape_cast %get3A_360 : vector<1x1x16xf32> to vector<16xf32>
      %mul3A_362 = arith.mulf %get3A_109, %get3A_361 : vector<16xf32>
      %add3A_363 = arith.addf %add3A_354, %mul3A_362 : vector<16xf32>
      %swap3A_364 = arith.constant 8 : i32
      %swap3A_365 = arith.index_cast %swap3A_364 : i32 to index
      %swap3A_366 = arith.index_cast %mul3A_96 : i32 to index
      %swap3A_367 = tpu.vector_load %arg12[%swap3A_365, %swap3A_366] {strides = array<i32>} : memref<16x768xf32, #tpu.memory_space<vmem>>, vector<1x16xf32>,
      %swap3A_368 = vector.shape_cast %swap3A_367 : vector<1x16xf32> to vector<16xf32>
      %swap3A_369 = vector.shape_cast %add3A_363 : vector<16xf32> to vector<1x16xf32>
      tpu.vector_store %arg12[%swap3A_365, %swap3A_366], %swap3A_369 {strides = array<i32>} : memref<16x768xf32, #tpu.memory_space<vmem>>, vector<1x16xf32>,
      %get3A_370 = arith.constant 9 : i32
      %get3A_371 = arith.index_cast %get3A_370 : i32 to index
      %get3A_372 = arith.index_cast %mul3A_96 : i32 to index
      %get3A_373 = tpu.vector_load %arg8[%get3A_371, %get3A_372] {strides = array<i32>} : memref<16x768xf32, #tpu.memory_space<vmem>>, vector<1x16xf32>,
      %get3A_374 = vector.shape_cast %get3A_373 : vector<1x16xf32> to vector<16xf32>
      %get3A_375 = arith.constant 1 : i32
      %get3A_376 = arith.constant 9 : i32
      %get3A_377 = arith.index_cast %get3A_375 : i32 to index
      %get3A_378 = arith.index_cast %get3A_376 : i32 to index
      %get3A_379 = arith.index_cast %mul3A_96 : i32 to index
      %get3A_380 = tpu.vector_load %arg7[%get3A_377, %get3A_378, %get3A_379] {strides = array<i32>} : memref<2x16x768xf32, #tpu.memory_space<vmem>>, vector<1x1x16xf32>,
      %get3A_381 = vector.shape_cast %get3A_380 : vector<1x1x16xf32> to vector<16xf32>
      %mul3A_382 = arith.mulf %get3A_102, %get3A_381 : vector<16xf32>
      %add3A_383 = arith.addf %get3A_374, %mul3A_382 : vector<16xf32>
      %get3A_384 = arith.constant 0 : i32
      %get3A_385 = arith.constant 9 : i32
      %get3A_386 = arith.index_cast %get3A_384 : i32 to index
      %get3A_387 = arith.index_cast %get3A_385 : i32 to index
      %get3A_388 = arith.index_cast %mul3A_96 : i32 to index
      %get3A_389 = tpu.vector_load %arg7[%get3A_386, %get3A_387, %get3A_388] {strides = array<i32>} : memref<2x16x768xf32, #tpu.memory_space<vmem>>, vector<1x1x16xf32>,
      %get3A_390 = vector.shape_cast %get3A_389 : vector<1x1x16xf32> to vector<16xf32>
      %mul3A_391 = arith.mulf %get3A_109, %get3A_390 : vector<16xf32>
      %add3A_392 = arith.addf %add3A_383, %mul3A_391 : vector<16xf32>
      %swap3A_393 = arith.constant 9 : i32
      %swap3A_394 = arith.index_cast %swap3A_393 : i32 to index
      %swap3A_395 = arith.index_cast %mul3A_96 : i32 to index
      %swap3A_396 = tpu.vector_load %arg12[%swap3A_394, %swap3A_395] {strides = array<i32>} : memref<16x768xf32, #tpu.memory_space<vmem>>, vector<1x16xf32>,
      %swap3A_397 = vector.shape_cast %swap3A_396 : vector<1x16xf32> to vector<16xf32>
      %swap3A_398 = vector.shape_cast %add3A_392 : vector<16xf32> to vector<1x16xf32>
      tpu.vector_store %arg12[%swap3A_394, %swap3A_395], %swap3A_398 {strides = array<i32>} : memref<16x768xf32, #tpu.memory_space<vmem>>, vector<1x16xf32>,
      %get3A_399 = arith.constant 10 : i32
      %get3A_400 = arith.index_cast %get3A_399 : i32 to index
      %get3A_401 = arith.index_cast %mul3A_96 : i32 to index
      %get3A_402 = tpu.vector_load %arg8[%get3A_400, %get3A_401] {strides = array<i32>} : memref<16x768xf32, #tpu.memory_space<vmem>>, vector<1x16xf32>,
      %get3A_403 = vector.shape_cast %get3A_402 : vector<1x16xf32> to vector<16xf32>
      %get3A_404 = arith.constant 1 : i32
      %get3A_405 = arith.constant 10 : i32
      %get3A_406 = arith.index_cast %get3A_404 : i32 to index
      %get3A_407 = arith.index_cast %get3A_405 : i32 to index
      %get3A_408 = arith.index_cast %mul3A_96 : i32 to index
      %get3A_409 = tpu.vector_load %arg7[%get3A_406, %get3A_407, %get3A_408] {strides = array<i32>} : memref<2x16x768xf32, #tpu.memory_space<vmem>>, vector<1x1x16xf32>,
      %get3A_410 = vector.shape_cast %get3A_409 : vector<1x1x16xf32> to vector<16xf32>
      %mul3A_411 = arith.mulf %get3A_102, %get3A_410 : vector<16xf32>
      %add3A_412 = arith.addf %get3A_403, %mul3A_411 : vector<16xf32>
      %get3A_413 = arith.constant 0 : i32
      %get3A_414 = arith.constant 10 : i32
      %get3A_415 = arith.index_cast %get3A_413 : i32 to index
      %get3A_416 = arith.index_cast %get3A_414 : i32 to index
      %get3A_417 = arith.index_cast %mul3A_96 : i32 to index
      %get3A_418 = tpu.vector_load %arg7[%get3A_415, %get3A_416, %get3A_417] {strides = array<i32>} : memref<2x16x768xf32, #tpu.memory_space<vmem>>, vector<1x1x16xf32>,
      %get3A_419 = vector.shape_cast %get3A_418 : vector<1x1x16xf32> to vector<16xf32>
      %mul3A_420 = arith.mulf %get3A_109, %get3A_419 : vector<16xf32>
      %add3A_421 = arith.addf %add3A_412, %mul3A_420 : vector<16xf32>
      %swap3A_422 = arith.constant 10 : i32
      %swap3A_423 = arith.index_cast %swap3A_422 : i32 to index
      %swap3A_424 = arith.index_cast %mul3A_96 : i32 to index
      %swap3A_425 = tpu.vector_load %arg12[%swap3A_423, %swap3A_424] {strides = array<i32>} : memref<16x768xf32, #tpu.memory_space<vmem>>, vector<1x16xf32>,
      %swap3A_426 = vector.shape_cast %swap3A_425 : vector<1x16xf32> to vector<16xf32>
      %swap3A_427 = vector.shape_cast %add3A_421 : vector<16xf32> to vector<1x16xf32>
      tpu.vector_store %arg12[%swap3A_423, %swap3A_424], %swap3A_427 {strides = array<i32>} : memref<16x768xf32, #tpu.memory_space<vmem>>, vector<1x16xf32>,
      %get3A_428 = arith.constant 11 : i32
      %get3A_429 = arith.index_cast %get3A_428 : i32 to index
      %get3A_430 = arith.index_cast %mul3A_96 : i32 to index
      %get3A_431 = tpu.vector_load %arg8[%get3A_429, %get3A_430] {strides = array<i32>} : memref<16x768xf32, #tpu.memory_space<vmem>>, vector<1x16xf32>,
      %get3A_432 = vector.shape_cast %get3A_431 : vector<1x16xf32> to vector<16xf32>
      %get3A_433 = arith.constant 1 : i32
      %get3A_434 = arith.constant 11 : i32
      %get3A_435 = arith.index_cast %get3A_433 : i32 to index
      %get3A_436 = arith.index_cast %get3A_434 : i32 to index
      %get3A_437 = arith.index_cast %mul3A_96 : i32 to index
      %get3A_438 = tpu.vector_load %arg7[%get3A_435, %get3A_436, %get3A_437] {strides = array<i32>} : memref<2x16x768xf32, #tpu.memory_space<vmem>>, vector<1x1x16xf32>,
      %get3A_439 = vector.shape_cast %get3A_438 : vector<1x1x16xf32> to vector<16xf32>
      %mul3A_440 = arith.mulf %get3A_102, %get3A_439 : vector<16xf32>
      %add3A_441 = arith.addf %get3A_432, %mul3A_440 : vector<16xf32>
      %get3A_442 = arith.constant 0 : i32
      %get3A_443 = arith.constant 11 : i32
      %get3A_444 = arith.index_cast %get3A_442 : i32 to index
      %get3A_445 = arith.index_cast %get3A_443 : i32 to index
      %get3A_446 = arith.index_cast %mul3A_96 : i32 to index
      %get3A_447 = tpu.vector_load %arg7[%get3A_444, %get3A_445, %get3A_446] {strides = array<i32>} : memref<2x16x768xf32, #tpu.memory_space<vmem>>, vector<1x1x16xf32>,
      %get3A_448 = vector.shape_cast %get3A_447 : vector<1x1x16xf32> to vector<16xf32>
      %mul3A_449 = arith.mulf %get3A_109, %get3A_448 : vector<16xf32>
      %add3A_450 = arith.addf %add3A_441, %mul3A_449 : vector<16xf32>
      %swap3A_451 = arith.constant 11 : i32
      %swap3A_452 = arith.index_cast %swap3A_451 : i32 to index
      %swap3A_453 = arith.index_cast %mul3A_96 : i32 to index
      %swap3A_454 = tpu.vector_load %arg12[%swap3A_452, %swap3A_453] {strides = array<i32>} : memref<16x768xf32, #tpu.memory_space<vmem>>, vector<1x16xf32>,
      %swap3A_455 = vector.shape_cast %swap3A_454 : vector<1x16xf32> to vector<16xf32>
      %swap3A_456 = vector.shape_cast %add3A_450 : vector<16xf32> to vector<1x16xf32>
      tpu.vector_store %arg12[%swap3A_452, %swap3A_453], %swap3A_456 {strides = array<i32>} : memref<16x768xf32, #tpu.memory_space<vmem>>, vector<1x16xf32>,
      %get3A_457 = arith.constant 12 : i32
      %get3A_458 = arith.index_cast %get3A_457 : i32 to index
      %get3A_459 = arith.index_cast %mul3A_96 : i32 to index
      %get3A_460 = tpu.vector_load %arg8[%get3A_458, %get3A_459] {strides = array<i32>} : memref<16x768xf32, #tpu.memory_space<vmem>>, vector<1x16xf32>,
      %get3A_461 = vector.shape_cast %get3A_460 : vector<1x16xf32> to vector<16xf32>
      %get3A_462 = arith.constant 1 : i32
      %get3A_463 = arith.constant 12 : i32
      %get3A_464 = arith.index_cast %get3A_462 : i32 to index
      %get3A_465 = arith.index_cast %get3A_463 : i32 to index
      %get3A_466 = arith.index_cast %mul3A_96 : i32 to index
      %get3A_467 = tpu.vector_load %arg7[%get3A_464, %get3A_465, %get3A_466] {strides = array<i32>} : memref<2x16x768xf32, #tpu.memory_space<vmem>>, vector<1x1x16xf32>,
      %get3A_468 = vector.shape_cast %get3A_467 : vector<1x1x16xf32> to vector<16xf32>
      %mul3A_469 = arith.mulf %get3A_102, %get3A_468 : vector<16xf32>
      %add3A_470 = arith.addf %get3A_461, %mul3A_469 : vector<16xf32>
      %get3A_471 = arith.constant 0 : i32
      %get3A_472 = arith.constant 12 : i32
      %get3A_473 = arith.index_cast %get3A_471 : i32 to index
      %get3A_474 = arith.index_cast %get3A_472 : i32 to index
      %get3A_475 = arith.index_cast %mul3A_96 : i32 to index
      %get3A_476 = tpu.vector_load %arg7[%get3A_473, %get3A_474, %get3A_475] {strides = array<i32>} : memref<2x16x768xf32, #tpu.memory_space<vmem>>, vector<1x1x16xf32>,
      %get3A_477 = vector.shape_cast %get3A_476 : vector<1x1x16xf32> to vector<16xf32>
      %mul3A_478 = arith.mulf %get3A_109, %get3A_477 : vector<16xf32>
      %add3A_479 = arith.addf %add3A_470, %mul3A_478 : vector<16xf32>
      %swap3A_480 = arith.constant 12 : i32
      %swap3A_481 = arith.index_cast %swap3A_480 : i32 to index
      %swap3A_482 = arith.index_cast %mul3A_96 : i32 to index
      %swap3A_483 = tpu.vector_load %arg12[%swap3A_481, %swap3A_482] {strides = array<i32>} : memref<16x768xf32, #tpu.memory_space<vmem>>, vector<1x16xf32>,
      %swap3A_484 = vector.shape_cast %swap3A_483 : vector<1x16xf32> to vector<16xf32>
      %swap3A_485 = vector.shape_cast %add3A_479 : vector<16xf32> to vector<1x16xf32>
      tpu.vector_store %arg12[%swap3A_481, %swap3A_482], %swap3A_485 {strides = array<i32>} : memref<16x768xf32, #tpu.memory_space<vmem>>, vector<1x16xf32>,
      %get3A_486 = arith.constant 13 : i32
      %get3A_487 = arith.index_cast %get3A_486 : i32 to index
      %get3A_488 = arith.index_cast %mul3A_96 : i32 to index
      %get3A_489 = tpu.vector_load %arg8[%get3A_487, %get3A_488] {strides = array<i32>} : memref<16x768xf32, #tpu.memory_space<vmem>>, vector<1x16xf32>,
      %get3A_490 = vector.shape_cast %get3A_489 : vector<1x16xf32> to vector<16xf32>
      %get3A_491 = arith.constant 1 : i32
      %get3A_492 = arith.constant 13 : i32
      %get3A_493 = arith.index_cast %get3A_491 : i32 to index
      %get3A_494 = arith.index_cast %get3A_492 : i32 to index
      %get3A_495 = arith.index_cast %mul3A_96 : i32 to index
      %get3A_496 = tpu.vector_load %arg7[%get3A_493, %get3A_494, %get3A_495] {strides = array<i32>} : memref<2x16x768xf32, #tpu.memory_space<vmem>>, vector<1x1x16xf32>,
      %get3A_497 = vector.shape_cast %get3A_496 : vector<1x1x16xf32> to vector<16xf32>
      %mul3A_498 = arith.mulf %get3A_102, %get3A_497 : vector<16xf32>
      %add3A_499 = arith.addf %get3A_490, %mul3A_498 : vector<16xf32>
      %get3A_500 = arith.constant 0 : i32
      %get3A_501 = arith.constant 13 : i32
      %get3A_502 = arith.index_cast %get3A_500 : i32 to index
      %get3A_503 = arith.index_cast %get3A_501 : i32 to index
      %get3A_504 = arith.index_cast %mul3A_96 : i32 to index
      %get3A_505 = tpu.vector_load %arg7[%get3A_502, %get3A_503, %get3A_504] {strides = array<i32>} : memref<2x16x768xf32, #tpu.memory_space<vmem>>, vector<1x1x16xf32>,
      %get3A_506 = vector.shape_cast %get3A_505 : vector<1x1x16xf32> to vector<16xf32>
      %mul3A_507 = arith.mulf %get3A_109, %get3A_506 : vector<16xf32>
      %add3A_508 = arith.addf %add3A_499, %mul3A_507 : vector<16xf32>
      %swap3A_509 = arith.constant 13 : i32
      %swap3A_510 = arith.index_cast %swap3A_509 : i32 to index
      %swap3A_511 = arith.index_cast %mul3A_96 : i32 to index
      %swap3A_512 = tpu.vector_load %arg12[%swap3A_510, %swap3A_511] {strides = array<i32>} : memref<16x768xf32, #tpu.memory_space<vmem>>, vector<1x16xf32>,
      %swap3A_513 = vector.shape_cast %swap3A_512 : vector<1x16xf32> to vector<16xf32>
      %swap3A_514 = vector.shape_cast %add3A_508 : vector<16xf32> to vector<1x16xf32>
      tpu.vector_store %arg12[%swap3A_510, %swap3A_511], %swap3A_514 {strides = array<i32>} : memref<16x768xf32, #tpu.memory_space<vmem>>, vector<1x16xf32>,
      %get3A_515 = arith.constant 14 : i32
      %get3A_516 = arith.index_cast %get3A_515 : i32 to index
      %get3A_517 = arith.index_cast %mul3A_96 : i32 to index
      %get3A_518 = tpu.vector_load %arg8[%get3A_516, %get3A_517] {strides = array<i32>} : memref<16x768xf32, #tpu.memory_space<vmem>>, vector<1x16xf32>,
      %get3A_519 = vector.shape_cast %get3A_518 : vector<1x16xf32> to vector<16xf32>
      %get3A_520 = arith.constant 1 : i32
      %get3A_521 = arith.constant 14 : i32
      %get3A_522 = arith.index_cast %get3A_520 : i32 to index
      %get3A_523 = arith.index_cast %get3A_521 : i32 to index
      %get3A_524 = arith.index_cast %mul3A_96 : i32 to index
      %get3A_525 = tpu.vector_load %arg7[%get3A_522, %get3A_523, %get3A_524] {strides = array<i32>} : memref<2x16x768xf32, #tpu.memory_space<vmem>>, vector<1x1x16xf32>,
      %get3A_526 = vector.shape_cast %get3A_525 : vector<1x1x16xf32> to vector<16xf32>
      %mul3A_527 = arith.mulf %get3A_102, %get3A_526 : vector<16xf32>
      %add3A_528 = arith.addf %get3A_519, %mul3A_527 : vector<16xf32>
      %get3A_529 = arith.constant 0 : i32
      %get3A_530 = arith.constant 14 : i32
      %get3A_531 = arith.index_cast %get3A_529 : i32 to index
      %get3A_532 = arith.index_cast %get3A_530 : i32 to index
      %get3A_533 = arith.index_cast %mul3A_96 : i32 to index
      %get3A_534 = tpu.vector_load %arg7[%get3A_531, %get3A_532, %get3A_533] {strides = array<i32>} : memref<2x16x768xf32, #tpu.memory_space<vmem>>, vector<1x1x16xf32>,
      %get3A_535 = vector.shape_cast %get3A_534 : vector<1x1x16xf32> to vector<16xf32>
      %mul3A_536 = arith.mulf %get3A_109, %get3A_535 : vector<16xf32>
      %add3A_537 = arith.addf %add3A_528, %mul3A_536 : vector<16xf32>
      %swap3A_538 = arith.constant 14 : i32
      %swap3A_539 = arith.index_cast %swap3A_538 : i32 to index
      %swap3A_540 = arith.index_cast %mul3A_96 : i32 to index
      %swap3A_541 = tpu.vector_load %arg12[%swap3A_539, %swap3A_540] {strides = array<i32>} : memref<16x768xf32, #tpu.memory_space<vmem>>, vector<1x16xf32>,
      %swap3A_542 = vector.shape_cast %swap3A_541 : vector<1x16xf32> to vector<16xf32>
      %swap3A_543 = vector.shape_cast %add3A_537 : vector<16xf32> to vector<1x16xf32>
      tpu.vector_store %arg12[%swap3A_539, %swap3A_540], %swap3A_543 {strides = array<i32>} : memref<16x768xf32, #tpu.memory_space<vmem>>, vector<1x16xf32>,
      %get3A_544 = arith.constant 15 : i32
      %get3A_545 = arith.index_cast %get3A_544 : i32 to index
      %get3A_546 = arith.index_cast %mul3A_96 : i32 to index
      %get3A_547 = tpu.vector_load %arg8[%get3A_545, %get3A_546] {strides = array<i32>} : memref<16x768xf32, #tpu.memory_space<vmem>>, vector<1x16xf32>,
      %get3A_548 = vector.shape_cast %get3A_547 : vector<1x16xf32> to vector<16xf32>
      %get3A_549 = arith.constant 1 : i32
      %get3A_550 = arith.constant 15 : i32
      %get3A_551 = arith.index_cast %get3A_549 : i32 to index
      %get3A_552 = arith.index_cast %get3A_550 : i32 to index
      %get3A_553 = arith.index_cast %mul3A_96 : i32 to index
      %get3A_554 = tpu.vector_load %arg7[%get3A_551, %get3A_552, %get3A_553] {strides = array<i32>} : memref<2x16x768xf32, #tpu.memory_space<vmem>>, vector<1x1x16xf32>,
      %get3A_555 = vector.shape_cast %get3A_554 : vector<1x1x16xf32> to vector<16xf32>
      %mul3A_556 = arith.mulf %get3A_102, %get3A_555 : vector<16xf32>
      %add3A_557 = arith.addf %get3A_548, %mul3A_556 : vector<16xf32>
      %get3A_558 = arith.constant 0 : i32
      %get3A_559 = arith.constant 15 : i32
      %get3A_560 = arith.index_cast %get3A_558 : i32 to index
      %get3A_561 = arith.index_cast %get3A_559 : i32 to index
      %get3A_562 = arith.index_cast %mul3A_96 : i32 to index
      %get3A_563 = tpu.vector_load %arg7[%get3A_560, %get3A_561, %get3A_562] {strides = array<i32>} : memref<2x16x768xf32, #tpu.memory_space<vmem>>, vector<1x1x16xf32>,
      %get3A_564 = vector.shape_cast %get3A_563 : vector<1x1x16xf32> to vector<16xf32>
      %mul3A_565 = arith.mulf %get3A_109, %get3A_564 : vector<16xf32>
      %add3A_566 = arith.addf %add3A_557, %mul3A_565 : vector<16xf32>
      %swap3A_567 = arith.constant 15 : i32
      %swap3A_568 = arith.index_cast %swap3A_567 : i32 to index
      %swap3A_569 = arith.index_cast %mul3A_96 : i32 to index
      %swap3A_570 = tpu.vector_load %arg12[%swap3A_568, %swap3A_569] {strides = array<i32>} : memref<16x768xf32, #tpu.memory_space<vmem>>, vector<1x16xf32>,
      %swap3A_571 = vector.shape_cast %swap3A_570 : vector<1x16xf32> to vector<16xf32>
      %swap3A_572 = vector.shape_cast %add3A_566 : vector<16xf32> to vector<1x16xf32>
      tpu.vector_store %arg12[%swap3A_568, %swap3A_569], %swap3A_572 {strides = array<i32>} : memref<16x768xf32, #tpu.memory_space<vmem>>, vector<1x16xf32>,
    }
    %scan3A_77 = arith.constant 48 : i32
    %add3A_78 = arith.constant 0 : i32
    %add3A_79 = arith.addi %add3A_35, %add3A_78 : i32
    %dma_start3A_80 = arith.constant 0 : i32
    %dma_start3A_81 = tpu.memref_slice %arg5[%add3A_79, %dma_start3A_80] : memref<512x768xf32, #tpu.memory_space<hbm>> -> memref<16x768xf32, #tpu.memory_space<hbm>>
    %dma_start3A_82 = arith.constant 0 : i32
    %dma_start3A_83 = tpu.memref_slice %arg5[%add3A_79, %dma_start3A_82] : memref<512x768xf32, #tpu.memory_space<hbm>> -> memref<16x768xf32, #tpu.memory_space<hbm>>
    tpu.enqueue_dma source(%arg12 : memref<16x768xf32, #tpu.memory_space<vmem>>) target(%dma_start3A_83 : memref<16x768xf32, #tpu.memory_space<hbm>>) target_semaphore(%arg18 : memref<!tpu.dma_semaphore, #tpu.memory_space<semaphore_mem>>)
    %add3A_84 = arith.constant 0 : i32
    %add3A_85 = arith.addi %add3A_35, %add3A_84 : i32
    %dma_wait3A_86 = arith.constant 0 : i32
    %dma_wait3A_87 = tpu.memref_slice %arg5[%add3A_85, %dma_wait3A_86] : memref<512x768xf32, #tpu.memory_space<hbm>> -> memref<16x768xf32, #tpu.memory_space<hbm>>
    %dma_wait3A_88 = arith.constant 0 : i32
    %dma_wait3A_89 = tpu.memref_slice %arg5[%add3A_85, %dma_wait3A_88] : memref<512x768xf32, #tpu.memory_space<hbm>> -> memref<16x768xf32, #tpu.memory_space<hbm>>
    tpu.wait_dma2 semaphore(%arg18 : memref<!tpu.dma_semaphore, #tpu.memory_space<semaphore_mem>>) src(%arg12 : memref<16x768xf32, #tpu.memory_space<vmem>>) dst(%dma_wait3A_89 : memref<16x768xf32, #tpu.memory_space<hbm>>)
    return
  }
}

module attributes {stable_mosaic.version = 14 : i64} {
  func.func @_tables_body(%arg0: memref<2x256x768xf32, #tpu.memory_space<vmem>>, %arg1: memref<2x32x768xf32, #tpu.memory_space<vmem>>) attributes {dimension_semantics = [], scalar_prefetch = 0 : i64, scratch_operands = 0 : i64, tpu.core_type = #tpu.core_type<tc>} {
    %iota3A = tpu.iota {dimensions = array<i32: 1>} : vector<256x768xi32>
    %jit3A = arith.constant 2 : i32
    %div3A = vector.broadcast %jit3A : i32 to vector<256x768xi32>
    %div3A_0 = arith.divsi %iota3A, %div3A : vector<256x768xi32>
    %sign3A = arith.constant 0 : i32
    %sign3A_1 = vector.broadcast %sign3A : i32 to vector<256x768xi32>
    %sign3A_2 = arith.cmpi sgt, %iota3A, %sign3A_1 : vector<256x768xi32>
    %sign3A_3 = arith.extui %sign3A_2 : vector<256x768xi1> to vector<256x768xi32>
    %sign3A_4 = arith.constant 0 : i32
    %sign3A_5 = vector.broadcast %sign3A_4 : i32 to vector<256x768xi32>
    %sign3A_6 = arith.cmpi slt, %iota3A, %sign3A_5 : vector<256x768xi32>
    %sign3A_7 = arith.extui %sign3A_6 : vector<256x768xi1> to vector<256x768xi32>
    %sign3A_8 = arith.subi %sign3A_3, %sign3A_7 : vector<256x768xi32>
    %sign3A_9 = arith.constant 0 : i32
    %sign3A_10 = arith.cmpi sgt, %jit3A, %sign3A_9 : i32
    %sign3A_11 = arith.extui %sign3A_10 : i1 to i32
    %sign3A_12 = arith.constant 0 : i32
    %sign3A_13 = arith.cmpi slt, %jit3A, %sign3A_12 : i32
    %sign3A_14 = arith.extui %sign3A_13 : i1 to i32
    %sign3A_15 = arith.subi %sign3A_11, %sign3A_14 : i32
    %ne3A = vector.broadcast %sign3A_15 : i32 to vector<256x768xi32>
    %ne3A_16 = arith.cmpi ne, %sign3A_8, %ne3A : vector<256x768xi32>
    %rem3A = vector.broadcast %jit3A : i32 to vector<256x768xi32>
    %rem3A_17 = arith.remsi %iota3A, %rem3A : vector<256x768xi32>
    %ne3A_18 = arith.constant 0 : i32
    %ne3A_19 = vector.broadcast %ne3A_18 : i32 to vector<256x768xi32>
    %ne3A_20 = arith.cmpi ne, %rem3A_17, %ne3A_19 : vector<256x768xi32>
    %and3A = arith.andi %ne3A_16, %ne3A_20 : vector<256x768xi1>
    %sub3A = arith.constant 1 : i32
    %sub3A_21 = vector.broadcast %sub3A : i32 to vector<256x768xi32>
    %sub3A_22 = arith.subi %div3A_0, %sub3A_21 : vector<256x768xi32>
    %select_n3A = arith.select %and3A, %sub3A_22, %div3A_0 : vector<256x768xi1>, vector<256x768xi32>
    %convert_element_type3A = arith.sitofp %select_n3A : vector<256x768xi32> to vector<256x768xf32>
    %mul3A = arith.constant -0.0239852611 : f32
    %mul3A_23 = vector.broadcast %mul3A : f32 to vector<256x768xf32>
    %mul3A_24 = arith.mulf %convert_element_type3A, %mul3A_23 : vector<256x768xf32>
    %exp3A = math.exp %mul3A_24 : vector<256x768xf32>
    %iota3A_25 = tpu.iota {dimensions = array<i32: 0>} : vector<256x768xi32>
    %convert_element_type3A_26 = arith.sitofp %iota3A_25 : vector<256x768xi32> to vector<256x768xf32>
    %mul3A_27 = arith.constant 3.200000e+01 : f32
    %mul3A_28 = vector.broadcast %mul3A_27 : f32 to vector<256x768xf32>
    %mul3A_29 = arith.mulf %convert_element_type3A_26, %mul3A_28 : vector<256x768xf32>
    %mul3A_30 = arith.mulf %mul3A_29, %exp3A : vector<256x768xf32>
    %sin3A = math.sin %mul3A_30 : vector<256x768xf32>
    %swap3A = arith.constant 0 : index
    %swap3A_31 = arith.constant 0 : index
    %swap3A_32 = arith.constant 0 : index
    %swap3A_33 = vector.load %arg0[%swap3A, %swap3A_31, %swap3A_32] : memref<2x256x768xf32, #tpu.memory_space<vmem>>, vector<1x256x768xf32>
    %swap3A_34 = vector.shape_cast %swap3A_33 : vector<1x256x768xf32> to vector<256x768xf32>
    %swap3A_35 = vector.shape_cast %sin3A : vector<256x768xf32> to vector<1x256x768xf32>
    tpu.vector_store %arg0[%swap3A, %swap3A_31, %swap3A_32], %swap3A_35 {strides = array<i32>} : memref<2x256x768xf32, #tpu.memory_space<vmem>>, vector<1x256x768xf32>,
    %add3A = arith.constant 1.57079637 : f32
    %add3A_36 = vector.broadcast %add3A : f32 to vector<256x768xf32>
    %add3A_37 = arith.addf %mul3A_30, %add3A_36 : vector<256x768xf32>
    %sin3A_38 = math.sin %add3A_37 : vector<256x768xf32>
    %swap3A_39 = arith.constant 1 : index
    %swap3A_40 = arith.constant 0 : index
    %swap3A_41 = arith.constant 0 : index
    %swap3A_42 = vector.load %arg0[%swap3A_39, %swap3A_40, %swap3A_41] : memref<2x256x768xf32, #tpu.memory_space<vmem>>, vector<1x256x768xf32>
    %swap3A_43 = vector.shape_cast %swap3A_42 : vector<1x256x768xf32> to vector<256x768xf32>
    %swap3A_44 = vector.shape_cast %sin3A_38 : vector<256x768xf32> to vector<1x256x768xf32>
    tpu.vector_store %arg0[%swap3A_39, %swap3A_40, %swap3A_41], %swap3A_44 {strides = array<i32>} : memref<2x256x768xf32, #tpu.memory_space<vmem>>, vector<1x256x768xf32>,
    %iota3A_45 = tpu.iota {dimensions = array<i32: 1>} : vector<32x768xi32>
    %jit3A_46 = arith.constant 2 : i32
    %div3A_47 = vector.broadcast %jit3A_46 : i32 to vector<32x768xi32>
    %div3A_48 = arith.divsi %iota3A_45, %div3A_47 : vector<32x768xi32>
    %sign3A_49 = arith.constant 0 : i32
    %sign3A_50 = vector.broadcast %sign3A_49 : i32 to vector<32x768xi32>
    %sign3A_51 = arith.cmpi sgt, %iota3A_45, %sign3A_50 : vector<32x768xi32>
    %sign3A_52 = arith.extui %sign3A_51 : vector<32x768xi1> to vector<32x768xi32>
    %sign3A_53 = arith.constant 0 : i32
    %sign3A_54 = vector.broadcast %sign3A_53 : i32 to vector<32x768xi32>
    %sign3A_55 = arith.cmpi slt, %iota3A_45, %sign3A_54 : vector<32x768xi32>
    %sign3A_56 = arith.extui %sign3A_55 : vector<32x768xi1> to vector<32x768xi32>
    %sign3A_57 = arith.subi %sign3A_52, %sign3A_56 : vector<32x768xi32>
    %sign3A_58 = arith.constant 0 : i32
    %sign3A_59 = arith.cmpi sgt, %jit3A_46, %sign3A_58 : i32
    %sign3A_60 = arith.extui %sign3A_59 : i1 to i32
    %sign3A_61 = arith.constant 0 : i32
    %sign3A_62 = arith.cmpi slt, %jit3A_46, %sign3A_61 : i32
    %sign3A_63 = arith.extui %sign3A_62 : i1 to i32
    %sign3A_64 = arith.subi %sign3A_60, %sign3A_63 : i32
    %ne3A_65 = vector.broadcast %sign3A_64 : i32 to vector<32x768xi32>
    %ne3A_66 = arith.cmpi ne, %sign3A_57, %ne3A_65 : vector<32x768xi32>
    %rem3A_67 = vector.broadcast %jit3A_46 : i32 to vector<32x768xi32>
    %rem3A_68 = arith.remsi %iota3A_45, %rem3A_67 : vector<32x768xi32>
    %ne3A_69 = arith.constant 0 : i32
    %ne3A_70 = vector.broadcast %ne3A_69 : i32 to vector<32x768xi32>
    %ne3A_71 = arith.cmpi ne, %rem3A_68, %ne3A_70 : vector<32x768xi32>
    %and3A_72 = arith.andi %ne3A_66, %ne3A_71 : vector<32x768xi1>
    %sub3A_73 = arith.constant 1 : i32
    %sub3A_74 = vector.broadcast %sub3A_73 : i32 to vector<32x768xi32>
    %sub3A_75 = arith.subi %div3A_48, %sub3A_74 : vector<32x768xi32>
    %select_n3A_76 = arith.select %and3A_72, %sub3A_75, %div3A_48 : vector<32x768xi1>, vector<32x768xi32>
    %convert_element_type3A_77 = arith.sitofp %select_n3A_76 : vector<32x768xi32> to vector<32x768xf32>
    %mul3A_78 = arith.constant -0.0239852611 : f32
    %mul3A_79 = vector.broadcast %mul3A_78 : f32 to vector<32x768xf32>
    %mul3A_80 = arith.mulf %convert_element_type3A_77, %mul3A_79 : vector<32x768xf32>
    %exp3A_81 = math.exp %mul3A_80 : vector<32x768xf32>
    %jit3A_82 = arith.constant 2 : i32
    %eq3A = arith.constant 0 : i32
    %eq3A_83 = arith.cmpi eq, %jit3A_82, %eq3A : i32
    %jit3A_84 = arith.constant 1 : i32
    %select_n3A_85 = arith.select %eq3A_83, %jit3A_84, %jit3A_82 : i32
    %rem3A_86 = vector.broadcast %select_n3A_85 : i32 to vector<32x768xi32>
    %rem3A_87 = arith.remsi %iota3A_45, %rem3A_86 : vector<32x768xi32>
    %ne3A_88 = arith.constant 0 : i32
    %ne3A_89 = vector.broadcast %ne3A_88 : i32 to vector<32x768xi32>
    %ne3A_90 = arith.cmpi ne, %rem3A_87, %ne3A_89 : vector<32x768xi32>
    %lt3A = arith.constant 0 : i32
    %lt3A_91 = vector.broadcast %lt3A : i32 to vector<32x768xi32>
    %lt3A_92 = arith.cmpi slt, %rem3A_87, %lt3A_91 : vector<32x768xi32>
    %lt3A_93 = arith.constant 0 : i32
    %lt3A_94 = arith.cmpi slt, %select_n3A_85, %lt3A_93 : i32
    %ne3A_95 = vector.broadcast %lt3A_94 : i1 to vector<32x768xi1>
    %ne3A_96 = vector.broadcast %ne3A_95 : vector<32x768xi1> to vector<32x768xi1>
    %ne3A_97 = arith.xori %lt3A_92, %ne3A_96 : vector<32x768xi1>
    %and3A_98 = arith.andi %ne3A_97, %ne3A_90 : vector<32x768xi1>
    %add3A_99 = vector.broadcast %select_n3A_85 : i32 to vector<32x768xi32>
    %add3A_100 = arith.addi %rem3A_87, %add3A_99 : vector<32x768xi32>
    %select_n3A_101 = arith.select %and3A_98, %add3A_100, %rem3A_87 : vector<32x768xi1>, vector<32x768xi32>
    %convert_element_type3A_102 = arith.sitofp %select_n3A_101 : vector<32x768xi32> to vector<32x768xf32>
    %iota3A_103 = tpu.iota {dimensions = array<i32: 0>} : vector<32x768xi32>
    %convert_element_type3A_104 = arith.sitofp %iota3A_103 : vector<32x768xi32> to vector<32x768xf32>
    %mul3A_105 = arith.mulf %convert_element_type3A_104, %exp3A_81 : vector<32x768xf32>
    %mul3A_106 = arith.constant 1.57079637 : f32
    %mul3A_107 = vector.broadcast %mul3A_106 : f32 to vector<32x768xf32>
    %mul3A_108 = arith.mulf %convert_element_type3A_102, %mul3A_107 : vector<32x768xf32>
    %add3A_109 = arith.addf %mul3A_105, %mul3A_108 : vector<32x768xf32>
    %sin3A_110 = math.sin %add3A_109 : vector<32x768xf32>
    %swap3A_111 = arith.constant 0 : index
    %swap3A_112 = arith.constant 0 : index
    %swap3A_113 = arith.constant 0 : index
    %swap3A_114 = vector.load %arg1[%swap3A_111, %swap3A_112, %swap3A_113] : memref<2x32x768xf32, #tpu.memory_space<vmem>>, vector<1x32x768xf32>
    %swap3A_115 = vector.shape_cast %swap3A_114 : vector<1x32x768xf32> to vector<32x768xf32>
    %swap3A_116 = vector.shape_cast %sin3A_110 : vector<32x768xf32> to vector<1x32x768xf32>
    tpu.vector_store %arg1[%swap3A_111, %swap3A_112, %swap3A_113], %swap3A_116 {strides = array<i32>} : memref<2x32x768xf32, #tpu.memory_space<vmem>>, vector<1x32x768xf32>,
    %add3A_117 = arith.constant 1.57079637 : f32
    %add3A_118 = vector.broadcast %add3A_117 : f32 to vector<32x768xf32>
    %add3A_119 = arith.addf %add3A_109, %add3A_118 : vector<32x768xf32>
    %sin3A_120 = math.sin %add3A_119 : vector<32x768xf32>
    %swap3A_121 = arith.constant 1 : index
    %swap3A_122 = arith.constant 0 : index
    %swap3A_123 = arith.constant 0 : index
    %swap3A_124 = vector.load %arg1[%swap3A_121, %swap3A_122, %swap3A_123] : memref<2x32x768xf32, #tpu.memory_space<vmem>>, vector<1x32x768xf32>
    %swap3A_125 = vector.shape_cast %swap3A_124 : vector<1x32x768xf32> to vector<32x768xf32>
    %swap3A_126 = vector.shape_cast %sin3A_120 : vector<32x768xf32> to vector<1x32x768xf32>
    tpu.vector_store %arg1[%swap3A_121, %swap3A_122, %swap3A_123], %swap3A_126 {strides = array<i32>} : memref<2x32x768xf32, #tpu.memory_space<vmem>>, vector<1x32x768xf32>,
    return
  }
}

module attributes {stable_mosaic.version = 14 : i64} {
  func.func @body(%arg0: i32, %arg1: memref<512x768xf32, #tpu.memory_space<vmem>>, %arg2: memref<2x256x768xf32, #tpu.memory_space<vmem>>, %arg3: memref<2x32x768xf32, #tpu.memory_space<vmem>>, %arg4: memref<512x768xf32, #tpu.memory_space<vmem>>) attributes {dimension_semantics = [#tpu.dimension_semantics<parallel>], iteration_bounds = array<i64: 16>, scalar_prefetch = 0 : i64, scratch_operands = 0 : i64, tpu.core_type = #tpu.core_type<tc>, window_params = [{transform_indices = @transform_0, window_bounds = array<i64: 512, 768>}, {pipeline_mode = #tpu.pipeline_mode<synchronous>, transform_indices = @transform_1, window_bounds = array<i64: 2, 256, 768>}, {pipeline_mode = #tpu.pipeline_mode<synchronous>, transform_indices = @transform_2, window_bounds = array<i64: 2, 32, 768>}, {transform_indices = @transform_3, window_bounds = array<i64: 512, 768>}]} {
    %mul3A = arith.constant 16 : i32
    %mul3A_0 = arith.muli %arg0, %mul3A : i32
    %get3A = arith.constant 0 : index
    %get3A_1 = arith.index_cast %mul3A_0 : i32 to index
    %get3A_2 = arith.constant 0 : index
    %get3A_3 = vector.load %arg2[%get3A, %get3A_1, %get3A_2] : memref<2x256x768xf32, #tpu.memory_space<vmem>>, vector<1x16x768xf32>
    %get3A_4 = vector.shape_cast %get3A_3 : vector<1x16x768xf32> to vector<16x768xf32>
    %broadcast_in_dim3A = vector.shape_cast %get3A_4 : vector<16x768xf32> to vector<16x1x768xf32>
    %get3A_5 = arith.constant 1 : index
    %get3A_6 = arith.index_cast %mul3A_0 : i32 to index
    %get3A_7 = arith.constant 0 : index
    %get3A_8 = vector.load %arg2[%get3A_5, %get3A_6, %get3A_7] : memref<2x256x768xf32, #tpu.memory_space<vmem>>, vector<1x16x768xf32>
    %get3A_9 = vector.shape_cast %get3A_8 : vector<1x16x768xf32> to vector<16x768xf32>
    %broadcast_in_dim3A_10 = vector.shape_cast %get3A_9 : vector<16x768xf32> to vector<16x1x768xf32>
    %get3A_11 = arith.constant 0 : index
    %get3A_12 = arith.constant 0 : index
    %get3A_13 = arith.constant 0 : index
    %get3A_14 = vector.load %arg3[%get3A_11, %get3A_12, %get3A_13] : memref<2x32x768xf32, #tpu.memory_space<vmem>>, vector<1x32x768xf32>
    %get3A_15 = vector.shape_cast %get3A_14 : vector<1x32x768xf32> to vector<32x768xf32>
    %broadcast_in_dim3A_16 = vector.shape_cast %get3A_15 : vector<32x768xf32> to vector<1x32x768xf32>
    %get3A_17 = arith.constant 1 : index
    %get3A_18 = arith.constant 0 : index
    %get3A_19 = arith.constant 0 : index
    %get3A_20 = vector.load %arg3[%get3A_17, %get3A_18, %get3A_19] : memref<2x32x768xf32, #tpu.memory_space<vmem>>, vector<1x32x768xf32>
    %get3A_21 = vector.shape_cast %get3A_20 : vector<1x32x768xf32> to vector<32x768xf32>
    %broadcast_in_dim3A_22 = vector.shape_cast %get3A_21 : vector<32x768xf32> to vector<1x32x768xf32>
    %get3A_23 = arith.constant 0 : index
    %get3A_24 = arith.constant 0 : index
    %get3A_25 = vector.load %arg1[%get3A_23, %get3A_24] : memref<512x768xf32, #tpu.memory_space<vmem>>, vector<512x768xf32>
    %reshape3A = vector.shape_cast %get3A_25 : vector<512x768xf32> to vector<16x32x768xf32>
    %mul3A_26 = vector.broadcast %broadcast_in_dim3A : vector<16x1x768xf32> to vector<16x32x768xf32>
    %mul3A_27 = vector.broadcast %broadcast_in_dim3A_22 : vector<1x32x768xf32> to vector<16x32x768xf32>
    %mul3A_28 = arith.mulf %mul3A_26, %mul3A_27 : vector<16x32x768xf32>
    %add3A = arith.addf %reshape3A, %mul3A_28 : vector<16x32x768xf32>
    %mul3A_29 = vector.broadcast %broadcast_in_dim3A_10 : vector<16x1x768xf32> to vector<16x32x768xf32>
    %mul3A_30 = vector.broadcast %broadcast_in_dim3A_16 : vector<1x32x768xf32> to vector<16x32x768xf32>
    %mul3A_31 = arith.mulf %mul3A_29, %mul3A_30 : vector<16x32x768xf32>
    %add3A_32 = arith.addf %add3A, %mul3A_31 : vector<16x32x768xf32>
    %reshape3A_33 = vector.shape_cast %add3A_32 : vector<16x32x768xf32> to vector<512x768xf32>
    %swap3A = arith.constant 0 : index
    %swap3A_34 = arith.constant 0 : index
    %swap3A_35 = vector.load %arg4[%swap3A, %swap3A_34] : memref<512x768xf32, #tpu.memory_space<vmem>>, vector<512x768xf32>
    tpu.vector_store %arg4[%swap3A, %swap3A_34], %reshape3A_33 {strides = array<i32>} : memref<512x768xf32, #tpu.memory_space<vmem>>, vector<512x768xf32>,
    return
  }
  func.func @transform_0(%arg0: i32) -> (i32, i32) {
    %c0_i32 = arith.constant 0 : i32
    %c0_i32_0 = arith.constant 0 : i32
    return %arg0, %c0_i32 : i32, i32
  }
  func.func @transform_1(%arg0: i32) -> (i32, i32, i32) {
    %c0_i32 = arith.constant 0 : i32
    %c0_i32_0 = arith.constant 0 : i32
    %c0_i32_1 = arith.constant 0 : i32
    %c0_i32_2 = arith.constant 0 : i32
    return %c0_i32, %c0_i32_0, %c0_i32_1 : i32, i32, i32
  }
  func.func @transform_2(%arg0: i32) -> (i32, i32, i32) {
    %c0_i32 = arith.constant 0 : i32
    %c0_i32_0 = arith.constant 0 : i32
    %c0_i32_1 = arith.constant 0 : i32
    %c0_i32_2 = arith.constant 0 : i32
    return %c0_i32, %c0_i32_0, %c0_i32_1 : i32, i32, i32
  }
  func.func @transform_3(%arg0: i32) -> (i32, i32) {
    %c0_i32 = arith.constant 0 : i32
    %c0_i32_0 = arith.constant 0 : i32
    return %arg0, %c0_i32 : i32, i32
  }
}

</mosaic_0001>

<sc_bundles>
// kernel: kernel.5.cloned.1.call-start
scs
__scs_entry_jumppad:
0x0: {  	(pc) =	sbr.rel $0x88, $3  }
0x1: {  	(tag) =	ssettag $0x0;
	lr =	simm.s32 $0x1  }
0x2: {  	[smem:$0x3FA0] =	sst lr;
	_ =	strace $0xD0000000  }
0x3: {  	_ = 	snop  }
0x4: {  	_ = 	snop  }
0x5: {  	_ = 	snop  }
0x6: {  	_ = 	snop  }
0x7: {  	_ = 	snop  }
__scs_overlays_trampoline_lowered:
0x8: {  	[smem:$0x3FAF] =	sst s0  }
0x9: {  	[smem:$0x3FB0] =	sst s1  }
0xa: {  	[smem:$0x3FB1] =	sst s2  }
0xb: {  	[smem:$0x3FB2] =	sst s3  }
0xc: {  	[smem:$0x3FB3] =	sst s4  }
0xd: {  	[smem:$0x3FB4] =	sst s5  }
0xe: {  	[smem:$0x3FB5] =	sst s6  }
0xf: {  	[smem:$0x3FB6] =	sst s7  }
0x10: {  	[smem:$0x3FB7] =	sst s8  }
0x11: {  	[smem:$0x3FB8] =	sst s9;
	s0 =	simm.s32 @!p0 $0x0  }
0x12: {  	s1 =	sld [smem:$0x3F9E];
	s0 =	simm.s32 @p0 $0x1  }
0x13: {  	[smem:$0x3FB9] =	sst s0;
	s0 =	simm.s32 @!p1 $0x0  }
0x14: {  	s2 =	sld [smem:$0x3F9D];
	s0 =	simm.s32 @p1 $0x1  }
0x15: {  	[smem:$0x3FBA] =	sst s0;
	s0 =	simm.s32 @!p2 $0x0  }
0x16: {  	s3 =	sld [smem:$0x3FDB];
	s0 =	simm.s32 @p2 $0x1  }
0x17: {  	s4 =	simm.s32 $0x1BF5;
	[smem:$0x3FBC] =	sst s0  }
0x18: {  	s0 =	sld [smem:$0x3F9F];
	_ =	swait.ge [sflag:s4], $0x0  }
0x19: {  	s7 =	sld [smem:$0x3FA0]  }
0x1a: {  	s8 =	sadd.s32 $0xFFFFE003, lr  }
0x1b: {  	s9 =	sadd.s32 $0xFFFFFEF7, lr;
	s5 =	simm.s32 $0xFFFFFFFF;
	p2 =	slt.u32 s8, $0xFFFFF086  }
0x1c: {  	p1 =	slt.u32 s9, $0xF7A;
	s5 =	simm.s32 @!p2 $0x0  }
0x1d: {  	s5 =	simm.s32 @p1 $0x1;
	p0 =	seq.s32 s7, s2  }
0x1e: {  	s7 =	smul.u32 @!p0 $0xF7A, s2;
	p2 =	seq.s32 @!p0 s5, $0x0  }
0x1f: {  	s9 =	smul.u32 $0xF7A, s1;
	s8 =	simm.s32 @!p0 $0x1BF5;
	p2 =	por !p2, p0  }
0x20: {  	[sflag:s8] =	ssyncset.s32 @!p0 $0xFFFFF086;
	s6 =	sadd.s32 @!p0 s3, s7;
	s7 =	simm.s32 @!p0 $0x108  }
0x21: {  	s3 =	sadd.s32 s3, s9;
	s6 =	sadd.s32 @!p0 $0x88, s6;
	s7 =	simm.s32 @p2 $0x1082  }
0x22: {  	[simem:s7], [sflag:s8] =	dma.local @!p0 [hbm:s6], $0xF7A  }
0x23: {  	s9 =	sor.u32 $0xD0000000, s2;
	s6 =	simm.s32 $0x108;
	_ =	swait.ge @!p0 [sflag:s8], $0x0  }
0x24: {  	s3 =	sadd.s32 $0x88, s3;
	s6 =	simm.s32 @!p1 $0x1082;
	[sflag:s4] =	ssyncset.s32 $0xFFFFF086  }
0x25: {  	[simem:s6], [sflag:s4] =	dma.local [hbm:s3], $0xF7A  }
0x26: {  	[smem:$0x3FA0] =	sst s1;
	(tag) =	ssettag s2;
	_ =	strace s9  }
0x27: {  	s1 =	sld [smem:$0x3FB0]  }
0x28: {  	s2 =	sld [smem:$0x3FB1]  }
0x29: {  	s4 =	sld [smem:$0x3FB3]  }
0x2a: {  	p0 =	seq.s32 s5, $0x0;
	s5 =	sld [smem:$0x3FB4]  }
0x2b: {  	s6 =	sld [smem:$0x3FB5]  }
0x2c: {  	s7 =	sld [smem:$0x3FB6]  }
0x2d: {  	s3 =	simm.s32 $0x108;
	s8 =	sld [smem:$0x3FB7]  }
0x2e: {  	s3 =	simm.s32 @!p0 $0x1082;
	s9 =	sld [smem:$0x3FB8]  }
0x2f: {  	lr =	sadd.s32 s0, s3;
	s0 =	sld [smem:$0x3FAF]  }
0x30: {  	s3 =	sld [smem:$0x3FB2]  }
0x31: {  	[smem:$0x3FBB] =	sst s10  }
0x32: {  	s10 =	sld [smem:$0x3FB9];
	_ =	sdelay $0x3  }
0x33: {  	p0 =	seq.s32 s10, $0x1;
	s10 =	sld [smem:$0x3FBB];
	_ =	sdelay $0x3  }
0x34: {  	[smem:$0x3FBB] =	sst s10  }
0x35: {  	s10 =	sld [smem:$0x3FBA];
	_ =	sdelay $0x3  }
0x36: {  	p1 =	seq.s32 s10, $0x1;
	s10 =	sld [smem:$0x3FBB];
	_ =	sdelay $0x3  }
0x37: {  	[smem:$0x3FBB] =	sst s10  }
0x38: {  	s10 =	sld [smem:$0x3FBC]  }
0x39: {  	_ = 	snop;
	(pc) =	sbr.ind lr, $3  }
0x3a: {  	_ = 	snop  }
0x3b: {  	_ = 	snop  }
0x3c: {  	p2 =	seq.s32 s10, $0x1;
	s10 =	sld [smem:$0x3FBB]  }
0x3d: {  	_ =	shalt  }
0x3e: {  	_ =	shalt  }
0x3f: {  	_ =	shalt  }
0x40: {  	_ =	shalt  }
0x41: {  	_ =	shalt  }
0x42: {  	_ =	shalt  }
0x43: {  	_ =	shalt  }
0x44: {  	_ =	shalt  }
0x45: {  	_ =	shalt  }
0x46: {  	_ =	shalt  }
0x47: {  	_ =	shalt  }
0x48: {  	_ =	shalt  }
0x49: {  	_ =	shalt  }
0x4a: {  	_ =	shalt  }
0x4b: {  	_ =	shalt  }
0x4c: {  	_ =	shalt  }
0x4d: {  	_ =	shalt  }
0x4e: {  	_ =	shalt  }
0x4f: {  	_ =	shalt  }
0x50: {  	_ =	shalt  }
0x51: {  	_ =	shalt  }
0x52: {  	_ =	shalt  }
0x53: {  	_ =	shalt  }
0x54: {  	_ =	shalt  }
0x55: {  	_ =	shalt  }
0x56: {  	_ =	shalt  }
0x57: {  	_ =	shalt  }
0x58: {  	_ =	shalt  }
0x59: {  	_ =	shalt  }
0x5a: {  	_ =	shalt  }
0x5b: {  	_ =	shalt  }
0x5c: {  	_ =	shalt  }
0x5d: {  	_ =	shalt  }
0x5e: {  	_ =	shalt  }
0x5f: {  	_ =	shalt  }
0x60: {  	_ =	shalt  }
0x61: {  	_ =	shalt  }
0x62: {  	_ =	shalt  }
0x63: {  	_ =	shalt  }
0x64: {  	_ =	shalt  }
0x65: {  	_ =	shalt  }
0x66: {  	_ =	shalt  }
0x67: {  	_ =	shalt  }
0x68: {  	_ =	shalt  }
0x69: {  	_ =	shalt  }
0x6a: {  	_ =	shalt  }
0x6b: {  	_ =	shalt  }
0x6c: {  	_ =	shalt  }
0x6d: {  	_ =	shalt  }
0x6e: {  	_ =	shalt  }
0x6f: {  	_ =	shalt  }
0x70: {  	_ =	shalt  }
0x71: {  	_ =	shalt  }
0x72: {  	_ =	shalt  }
0x73: {  	_ =	shalt  }
0x74: {  	_ =	shalt  }
0x75: {  	_ =	shalt  }
0x76: {  	_ =	shalt  }
0x77: {  	_ =	shalt  }
0x78: {  	_ =	shalt  }
0x79: {  	_ =	shalt  }
0x7a: {  	_ =	shalt  }
0x7b: {  	_ =	shalt  }
0x7c: {  	_ =	shalt  }
0x7d: {  	_ =	shalt  }
0x7e: {  	_ =	shalt  }
0x7f: {  	_ =	shalt  }
0x80: {  	_ =	shalt  }
0x81: {  	_ =	shalt  }
0x82: {  	_ =	shalt  }
0x83: {  	_ =	shalt  }
0x84: {  	_ =	shalt  }
0x85: {  	_ =	shalt  }
0x86: {  	_ =	shalt  }
0x87: {  	_ =	shalt  }
.Lfunc_end0:
.L_simem_size_0:
called_computation_lowered:
.L_overlay_start_0:
0x88: {  	s2 =	sld [smem:$0x3FD9]  }
0x89: {  	s3 =	sld [smem:$0x3FFE];
	_ =	sdelay $0x1  }
0x8a: {  	s1 =	srdreg.scid  }
0x8b: {  	s0 =	sand.u32 $0x1, s1  }
0x8c: {  	s17 =	sshll.u32 s0, $0xA;
	s2 =	sadd.s32 s3, s2  }
0x8d: {  	s2 =	sadd.s32 s2, s17  }
0x8e: {  	[smem:$0x3FC7] =	sst s2  }
0x8f: {  	_ = 	snop  }
0x90: {  	s2 =	sld [smem:$0x3FC9];
	(tm) =	ssettm $0x1  }
0x91: {  	s18 =	sld [smem:$0x3FFB];
	_ =	sdelay $0x3  }
0x92: {  	_ =	strace s18  }
0x93: {  	s3 =	sld [smem:$0x3FFC];
	_ =	sdelay $0x3  }
0x94: {  	_ =	strace s3  }
0x95: {  	s3 =	sld [smem:$0x3FFD];
	_ =	sdelay $0x3  }
0x96: {  	_ =	strace s3  }
0x97: {  	_ =	strace $0x8FFFFFFF  }
0x98: {  	s19 =	sld [smem:$0x3FDB];
	_ =	sdelay $0x1  }
0x99: {  	s4 =	simm.s32 $_scs_section_size  }
0x9a: {  	s5 =	simm.s32 $_size__tile_overlayer_lowered;
	s6 =	simm.s32 $_tile_overlayer_lowered  }
0x9b: {  	s22 =	simm.s32 $0x1BFF;
	s21 =	sshll.u32 s6, $0x1;
	s3 =	sadd.s32 s4, s19  }
0x9c: {  	s7 =	simm.s32 $0x0;
	s20 =	sshll.u32 s5, $0x1;
	s5 =	sadd.s32 s21, s3  }
0x9d: {  	[timem:s7], [sflag:s22] =	dma.local [hbm:s5], s20  }
0x9e: {  	_ =	swait.ge [sflag:s22], s20  }
0x9f: {  	s4 =	ssub.s32 $0x0, s20;
	[sflag:s22] =	ssyncset.done $0x0  }
0xa0: {  	[sflag:s22] =	ssyncadd.s32 s4;
	_ =	sdelay $0x1  }
0xa1: {  	s23 =	simm.s32 $0x1B8B  }
0xa2: {  	_ =	swait.ge [sflag:s23], $0x1  }
0xa3: {  	[sflag:s23] =	ssyncset.done $0x0  }
0xa4: {  	s25 =	simm.s32 $0x1B8E;
	s24 =	sld [smem:$0x3FFE];
	[sflag:s23] =	ssyncadd.s32 $0xFFFFFFFF  }
0xa5: {  	s26 =	simm.s32 $execute0_lowered;
	[smem:$0x3FD2] =	sst s25  }
0xa6: {  	s5 =	sshll.u32 s26, $0x1;
	_ =	strace $0x80000046;
	[dreg:$0x1] =	wrdreg $0xFFFFFFFF  }
0xa7: {  	s28 =	simm.s32 $_size_execute0_lowered;
	s3 =	sadd.s32 s3, s5;
	[dreg:$0x0] =	wrdreg $0x0  }
0xa8: {  	s5 =	sshll.u32 s28, $0x1;
	[dreg:$0x2] =	wrdreg s3  }
0xa9: {  	[dreg:$0x3] =	wrdreg s5  }
0xaa: {  	[dreg:$0x4] =	wrdreg $0xC0  }
0xab: {  	_ =	task [dreg:s7], $0x5FFFF  }
0xac: {  	[dreg:$0x1] =	wrdreg $0xFFFFFFFF  }
0xad: {  	[dreg:$0x0] =	wrdreg $0x60  }
0xae: {  	[dreg:$0x2] =	wrdreg s2  }
0xaf: {  	[dreg:$0x3] =	wrdreg s24  }
0xb0: {  	[dreg:$0x4] =	wrdreg $0x9  }
0xb1: {  	_ =	task.clear_ibuf [dreg:s7], $0x5FFFF;
	_ =	strace $0x90000046  }
0xb2: {  	s29 =	simm.s32 $0x9;
	_ =	strace $0x80000048  }
0xb3: {  	_ =	swait.ge [sflag:s29], $0x1  }
0xb4: {  	[sflag:s29] =	ssyncadd.s32 $0xFFFFFFFF  }
0xb5: {  	_ =	strace $0x90000048  }
0xb6: {  	_ =	sfence  }
0xb7: {  	s30 =	sld [smem:$0x0];
	_ =	sdelay $0x2  }
0xb8: {  	s31 =	sshll.u32 s1, $0xD;
	s1 =	sshrl.u32 s1, $0x2  }
0xb9: {  	s3 =	sand.u32 $0x4000, s31;
	s1 =	sadd.s32 s1, s30  }
0xba: {  	s0 =	sor.u32 s3, s0;
	s1 =	sshll.u32 s1, $0x11  }
0xbb: {  	s0 =	sor.u32 s1, s0  }
0xbc: {  	s0 =	sadd.s32 $0x8F2B, s0  }
0xbd: {  	[sflag:s0] =	ssyncadd.remote.s32 $0x1  }
0xbe: {  	_ =	sfence.sel $0xFFFF  }
0xbf: {  	[dreg:$0x0] =	wrdreg $0xFFFFFFFF;
	(pc) =	sbr.abs _section_cstart, $3  }
0xc0: {  	[dreg:$0x1] =	wrdreg $0xFFFFFFFF  }
0xc1: {  	_ =	task.clear_ibuf [dreg:s7], $0x2FFFF;
	_ =	strace $0x9FFFFFFF  }
0xc2: {  	(tm) =	ssettm $0x7FFFFFFF  }
0xc3: {  	_ =	shalt  }
tec
execute0_lowered:
.L_overlay_start_1:
0x0: {  	(tag) =	ssettag $0x1  }
0x1: {  	s1 =	srdreg.scid  }
0x2: {  	s0 =	stileid.u32;
	s4 =	rddreg [dreg:$0x0]  }
0x3: {  	s5 =	rddreg [dreg:$0x1];
	s2 =	simm.s32 $0x0;
	s12 =	simm.s32 $0x400  }
0x4: {  	s13 =	simm.s32 $0x300;
	s14 =	simm.s32 $0x3000;
	s3 =	sand.u32 $0x1, s1  }
0x5: {  	s15 =	simm.s32 $0x6000;
	s16 =	simm.s32 $0x600;
	s1 =	sor.u32 s3, s0  }
0x6: {  	s17 =	simm.s32 $0x3;
	p1 =	seq.s32 s3, $0x1;
	p0 =	seq.s32 s1, $0x0  }
0x7: {  	s18 =	simm.s32 $0x4;
	s19 =	simm.s32 $0x9600;
	p0 =	por !p0, !p1  }
0x8: {  	s20 =	simm.s32 $0x2;
	s1 =	simm.s32 $0x1;
	p0 =	por !p0, !p0  }
0x9: {  	s21 =	simm.s32 $0x0;
	[smem:$0x7FF] =	sst s2;
	s1 =	simm.s32 @!p0 $0x0  }
0xa: {  	s9 =	sshll.u32 s3, $0x4;
	s29 =	smul.u32 $0x600, s3;
	s6 =	ssub.s32 s0, s1  }
0xb: {  	s30 =	ssub.s32 $0x2, s3;
	s3 =	simm.s32 $0x1;
	s7 =	sshrl.u32 s6, $0x3  }
0xc: {  	s8 =	sshll.u32 s6, $0x7;
	s6 =	sshll.u32 s6, $0x5;
	s7 =	smul.u32 $0x1800, s7  }
0xd: {  	s31 =	sshrl.u32 s30, $0x1;
	s8 =	sand.u32 $0x380, s8;
	s6 =	sor.u32 s9, s6  }
0xe: {  	s1 =	rddreg [dreg:$0x2];
	s6 =	sshrl.u32 s6, $0x3;
	s7 =	sor.u32 s8, s7  }
0xf: {  	_ =	strace $0x80000047;
	s6 =	smul.u32 $0x300, s6;
	s7 =	sshrl.u32 s7, $0x3  }
0x10: {  	s9 =	ssub.s32 s30, s31;
	s8 =	sadd.s32 s29, s5;
	s10 =	sadd.s32 s7, s5  }
0x11: {  	s11 =	sadd.s32 s6, s5;
	s4 =	sadd.s32 s4, s6;
	s6 =	sadd.s32 $0xCE00, s8  }
0x12: {  	s8 =	smax.u32 s9, $0x1;
	s5 =	sadd.s32 $0xE00, s10;
	s7 =	sadd.s32 $0xE600, s11  }
0x13: {  	s9 =	sadd.s32 $0x6E00, s10;
	s10 =	simm.s32 $0x6600;
	s11 =	simm.s32 $0x80  }
.LBB2_1:
0x14: {  	[tilespmem:s10], [sflag:$0x1] =	stream.linear.gather [hbm4b:s4+s2], $0x3000, $0x38;
	[tilespmem:$0xC600] =	vst v63  }
0x15: {  	_ = 	snop  }
0x16: {  	[tilespmem:s2], [sflag:$0x3] =	stream.strided.gather [hbm4b:s5+s11], $0x300, s12, s11, $0x38;
	[tilespmem:$0xC600] =	vst v63  }
0x17: {  	_ = 	snop  }
0x18: {  	[tilespmem:s13], [sflag:$0x3] =	stream.strided.gather [hbm4b:s9+s11], $0x300, s12, s11, $0x38;
	[tilespmem:$0xC600] =	vst v63  }
0x19: {  	_ = 	snop  }
0x1a: {  	[tilespmem:s16], [sflag:$0x4] =	stream.strided.gather [hbm4b:s6+s14], $0x6000, s15, s14, $0x38;
	[tilespmem:$0xC600] =	vst v63  }
0x1b: {  	_ =	swait.ge [sflag:s17], $0x600  }
0x1c: {  	[sflag:s17] =	ssyncset.done $0x0  }
0x1d: {  	[sflag:s17] =	ssyncadd.s32 $0xFFFFFA00  }
0x1e: {  	_ =	swait.ge [sflag:s18], $0x6000  }
0x1f: {  	[sflag:s18] =	ssyncset.done $0x0  }
0x20: {  	[sflag:s18] =	ssyncadd.s32 $0xFFFFA000  }
0x21: {  	_ =	swait.ge [sflag:s3], $0x3000  }
0x22: {  	[sflag:s3] =	ssyncset.done $0x0  }
0x23: {  	[sflag:s3] =	ssyncadd.s32 $0xFFFFD000  }
0x24: {  	s22 =	sand.u32 $0x70, s2;
	s23 =	sand.u32 $0x3F0, s2;
	s24 =	sand.u32 $0x1C00, s2;
	v0 =	vld [tilespmem:s2+$0x0]  }
0x25: {  	s22 =	sor.u32 s22, s24;
	v1 =	vld [tilespmem:s23+$0x300]  }
0x26: {  	v2 =	vld [tilespmem:s22+$0x880]  }
0x27: {  	v3 =	vld [tilespmem:s22+$0x6880]  }
0x28: {  	v4 =	vld [tilespmem:s22+$0x6800]  }
0x29: {  	v5 =	vld [tilespmem:s22+$0x780]  }
0x2a: {  	v6 =	vld [tilespmem:s22+$0x3880]  }
0x2b: {  	v7 =	vld [tilespmem:s22+$0x600]  }
0x2c: {  	v8 =	vld [tilespmem:s22+$0x6780]  }
0x2d: {  	v9 =	vld [tilespmem:s22+$0x800]  }
0x2e: {  	v10 =	vld [tilespmem:s22+$0x6680]  }
0x2f: {  	v11 =	vld [tilespmem:s22+$0x900]  }
0x30: {  	v12 =	vld [tilespmem:s22+$0x3780]  }
0x31: {  	v13 =	vld [tilespmem:s22+$0x3700]  }
0x32: {  	v14 =	vld [tilespmem:s22+$0x3680]  }
0x33: {  	v15 =	vld [tilespmem:s22+$0x680]  }
0x34: {  	v17 =	vld [tilespmem:s22+$0x3800]  }
0x35: {  	v16 =	vld [tilespmem:s22+$0x3900]  }
0x36: {  	v18 =	vld [tilespmem:s22+$0x3600];
	v12 =	vmul.f32 v12, v0  }
0x37: {  	v19 =	vld [tilespmem:s22+$0x6600];
	v14 =	vmul.f32 v14, v0;
	v5 =	vmul.f32 v5, v1  }
0x38: {  	v58 =	vld [tilespmem:s22+$0x6900];
	v6 =	vmul.f32 v6, v0;
	v9 =	vmul.f32 v9, v1  }
0x39: {  	v20 =	vld [tilespmem:s22+$0x6700];
	v15 =	vmul.f32 v15, v1;
	v60 =	vmul.f32 v17, v0;
	v8 =	vadd.f32 v12, v8  }
0x3a: {  	v59 =	vld [tilespmem:s22+$0x700];
	v2 =	vmul.f32 v2, v1;
	v7 =	vmul.f32 v7, v1;
	v10 =	vadd.f32 v14, v10  }
0x3b: {  	v3 =	vadd.f32 v6, v3;
	v6 =	vmul.f32 v18, v0;
	v5 =	vadd.f32 v5, v8  }
0x3c: {  	v61 =	vmul.f32 v16, v0;
	v4 =	vadd.f32 v60, v4;
	v10 =	vadd.f32 v15, v10  }
0x3d: {  	v6 =	vadd.f32 v6, v19;
	v2 =	vadd.f32 v2, v3;
	[tilespmem:s22+$0x9780] =	vst v5;
	v5 =	vmul.f32 v13, v0  }
0x3e: {  	v62 =	vadd.f32 v61, v58;
	v3 =	vmul.f32 v11, v1;
	v4 =	vadd.f32 v9, v4;
	[tilespmem:s22+$0x9680] =	vst v10  }
0x3f: {  	v6 =	vadd.f32 v7, v6;
	v7 =	vmul.f32 v59, v1;
	[tilespmem:s22+$0x9880] =	vst v2;
	v5 =	vadd.f32 v5, v20  }
0x40: {  	v63 =	vld [tilespmem:s22+$0x3980];
	[tilespmem:s22+$0x9800] =	vst v4;
	v2 =	vadd.f32 v3, v62  }
0x41: {  	[tilespmem:s22+$0x9600] =	vst v6;
	v3 =	vadd.f32 v7, v5  }
0x42: {  	s31 =	sor.u32 s2, s2;
	[tilespmem:s22+$0x9900] =	vst v2  }
0x43: {  	s28 =	sor.u32 $0x380, s31;
	[tilespmem:s22+$0x9700] =	vst v3  }
0x44: {  	v2 =	vld [tilespmem:s28+$0x6600]  }
0x45: {  	s25 =	simm.s32 $0x0;
	s24 =	simm.s32 $0x0;
	s23 =	simm.s32 $0x10;
	v3 =	vmul.f32 v63, v0;
	v4 =	vld [tilespmem:s28+$0x600]  }
.LBB2_2:
0x46: {  	_ = 	snop  }
0x47: {  	p0 =	sne.s32 s23, $0x2F0;
	s24 =	sadd.s32 $0x80, s24;
	s25 =	sadd.s32 $0x10, s25  }
0x48: {  	s26 =	smov.u32 s23;
	s23 =	sadd.s32 $0x10, s23  }
0x49: {  	v2 =	vadd.f32 v3, v2  }
0x4a: {  	v3 =	vmul.f32 v4, v1;
	_ =	sdelay $0x1  }
0x4b: {  	v2 =	vadd.f32 v3, v2;
	_ =	sdelay $0x1  }
0x4c: {  	[tilespmem:s28+$0x9600] =	vst v2  }
0x4d: {  	v2 =	vld [tilespmem:s22+$0x1E80]  }
0x4e: {  	v3 =	vld [tilespmem:s22+$0x1E00]  }
0x4f: {  	v4 =	vld [tilespmem:s22+$0x7E80]  }
0x50: {  	v5 =	vld [tilespmem:s22+$0x7E00]  }
0x51: {  	v6 =	vld [tilespmem:s22+$0x2080]  }
0x52: {  	v2 =	vmul.f32 v2, v1;
	v7 =	vld [tilespmem:s22+$0x1F80]  }
0x53: {  	v3 =	vmul.f32 v3, v1;
	v8 =	vld [tilespmem:s22+$0x2000]  }
0x54: {  	v9 =	vld [tilespmem:s22+$0x4E00]  }
0x55: {  	v10 =	vld [tilespmem:s22+$0x4E80]  }
0x56: {  	v11 =	vld [tilespmem:s22+$0x5080];
	v6 =	vmul.f32 v6, v1  }
0x57: {  	v7 =	vmul.f32 v7, v1;
	v12 =	vld [tilespmem:s22+$0x5100]  }
0x58: {  	v8 =	vmul.f32 v8, v1;
	v13 =	vld [tilespmem:s22+$0x8080]  }
0x59: {  	v9 =	vmul.f32 v9, v0;
	v14 =	vld [tilespmem:s22+$0x2100]  }
0x5a: {  	v10 =	vmul.f32 v10, v0;
	v15 =	vld [tilespmem:s22+$0x1F00]  }
0x5b: {  	v5 =	vadd.f32 v9, v5;
	v9 =	vmul.f32 v11, v0;
	v11 =	vld [tilespmem:s22+$0x8100]  }
0x5c: {  	v4 =	vadd.f32 v10, v4;
	v10 =	vmul.f32 v12, v0;
	v12 =	vld [tilespmem:s22+$0x2180]  }
0x5d: {  	v3 =	vadd.f32 v3, v5;
	v5 =	vld [tilespmem:s22+$0x7F80];
	v9 =	vadd.f32 v9, v13  }
0x5e: {  	v2 =	vadd.f32 v2, v4;
	v4 =	vmul.f32 v14, v1;
	v13 =	vld [tilespmem:s22+$0x5180]  }
0x5f: {  	[tilespmem:s22+$0xAE00] =	vst v3;
	v3 =	vmul.f32 v15, v1;
	v6 =	vadd.f32 v6, v9;
	v9 =	vld [tilespmem:s22+$0x8180]  }
0x60: {  	[tilespmem:s22+$0xAE80] =	vst v2;
	v2 =	vld [tilespmem:s22+$0x4F00];
	v10 =	vadd.f32 v10, v11  }
0x61: {  	v11 =	vld [tilespmem:s22+$0x7F00];
	[tilespmem:s22+$0xB080] =	vst v6;
	v1 =	vmul.f32 v12, v1  }
0x62: {  	v6 =	vld [tilespmem:s22+$0x4F80];
	v4 =	vadd.f32 v4, v10  }
0x63: {  	v10 =	vld [tilespmem:s22+$0x5000];
	v12 =	vmul.f32 v13, v0  }
0x64: {  	v13 =	vld [tilespmem:s22+$0x8000];
	[tilespmem:s22+$0xB100] =	vst v4  }
0x65: {  	v2 =	vmul.f32 v2, v0;
	v4 =	vadd.f32 v12, v9;
	_ =	sdelay $0x1  }
0x66: {  	v2 =	vadd.f32 v2, v11;
	v6 =	vmul.f32 v6, v0;
	v1 =	vadd.f32 v1, v4  }
0x67: {  	v0 =	vmul.f32 v10, v0  }
0x68: {  	v2 =	vadd.f32 v3, v2;
	v3 =	vadd.f32 v6, v5;
	[tilespmem:s22+$0xB180] =	vst v1  }
0x69: {  	v0 =	vadd.f32 v0, v13  }
0x6a: {  	[tilespmem:s22+$0xAF00] =	vst v2;
	v1 =	vadd.f32 v7, v3  }
0x6b: {  	v0 =	vadd.f32 v8, v0  }
0x6c: {  	[tilespmem:s22+$0xAF80] =	vst v1  }
0x6d: {  	[tilespmem:s22+$0xB000] =	vst v0;
	_ =	sdelay $0x1  }
0x6e: {  	s29 =	sand.u32 $0x1C00, s24;
	s28 =	sand.u32 $0x3F0, s26;
	s22 =	sand.u32 $0x70, s26;
	v0 =	vld [tilespmem:s25+$0x0]  }
0x6f: {  	s22 =	sor.u32 s22, s29;
	v1 =	vld [tilespmem:s28+$0x300]  }
0x70: {  	v2 =	vld [tilespmem:s22+$0x880]  }
0x71: {  	v3 =	vld [tilespmem:s22+$0x6880]  }
0x72: {  	v4 =	vld [tilespmem:s22+$0x6800]  }
0x73: {  	v5 =	vld [tilespmem:s22+$0x780]  }
0x74: {  	v6 =	vld [tilespmem:s22+$0x3880]  }
0x75: {  	v7 =	vld [tilespmem:s22+$0x600]  }
0x76: {  	v8 =	vld [tilespmem:s22+$0x6780]  }
0x77: {  	v9 =	vld [tilespmem:s22+$0x800]  }
0x78: {  	v10 =	vld [tilespmem:s22+$0x6680]  }
0x79: {  	v11 =	vld [tilespmem:s22+$0x900]  }
0x7a: {  	v12 =	vld [tilespmem:s22+$0x3780]  }
0x7b: {  	v13 =	vld [tilespmem:s22+$0x3700]  }
0x7c: {  	v5 =	vmul.f32 v5, v1;
	v14 =	vld [tilespmem:s22+$0x680]  }
0x7d: {  	v15 =	vld [tilespmem:s22+$0x3680]  }
0x7e: {  	v16 =	vld [tilespmem:s22+$0x3900]  }
0x7f: {  	v9 =	vmul.f32 v9, v1;
	v12 =	vmul.f32 v12, v0;
	v17 =	vld [tilespmem:s22+$0x3800]  }
0x80: {  	v7 =	vmul.f32 v7, v1;
	v18 =	vld [tilespmem:s22+$0x3600]  }
0x81: {  	v19 =	vld [tilespmem:s22+$0x6600];
	v8 =	vadd.f32 v12, v8  }
0x82: {  	v6 =	vmul.f32 v6, v0;
	v12 =	vmul.f32 v15, v0;
	v15 =	vld [tilespmem:s22+$0x6900]  }
0x83: {  	v13 =	vmul.f32 v13, v0;
	v14 =	vmul.f32 v14, v1;
	v20 =	vld [tilespmem:s22+$0x6700];
	v5 =	vadd.f32 v5, v8  }
0x84: {  	v3 =	vadd.f32 v6, v3;
	v8 =	vadd.f32 v12, v10;
	v10 =	vld [tilespmem:s22+$0x700];
	v12 =	vmul.f32 v17, v0  }
0x85: {  	v2 =	vmul.f32 v2, v1;
	v6 =	vmul.f32 v18, v0  }
0x86: {  	v8 =	vadd.f32 v14, v8;
	v4 =	vadd.f32 v12, v4;
	v12 =	vmul.f32 v16, v0  }
0x87: {  	v2 =	vadd.f32 v2, v3;
	v3 =	vmul.f32 v11, v1;
	v6 =	vadd.f32 v6, v19;
	[tilespmem:s22+$0x9780] =	vst v5  }
0x88: {  	[tilespmem:s22+$0x9680] =	vst v8;
	v4 =	vadd.f32 v9, v4;
	v5 =	vadd.f32 v12, v15;
	v8 =	vld [tilespmem:s22+$0x3980]  }
0x89: {  	v6 =	vadd.f32 v7, v6;
	v7 =	vadd.f32 v13, v20;
	v9 =	vmul.f32 v10, v1;
	[tilespmem:s22+$0x9880] =	vst v2  }
0x8a: {  	[tilespmem:s22+$0x9800] =	vst v4;
	v2 =	vadd.f32 v3, v5  }
.Ltmp0:
0x8b: {  	[tilespmem:s22+$0x9600] =	vst v6;
	v3 =	vadd.f32 v9, v7;
	(pc) =	sbr.rel @p0 .LBB2_2-.Ltmp0, $4  }
0x8c: {  	s26 =	sor.u32 s24, s26;
	[tilespmem:s22+$0x9900] =	vst v2  }
0x8d: {  	s28 =	sor.u32 $0x380, s26;
	[tilespmem:s22+$0x9700] =	vst v3;
	v3 =	vmul.f32 v8, v0  }
0x8e: {  	v2 =	vld [tilespmem:s28+$0x6600]  }
0x8f: {  	v4 =	vld [tilespmem:s28+$0x600]  }
0x90: {  	_ =	sdelay $0x3  }
0x91: {  	v2 =	vadd.f32 v3, v2;
	v42 =	vmul.f32 v4, v1;
	_ =	sdelay $0x1  }
0x92: {  	v2 =	vadd.f32 v42, v2;
	_ =	sdelay $0x1  }
0x93: {  	[tilespmem:s28+$0x9600] =	vst v2  }
0x94: {  	v2 =	vld [tilespmem:s22+$0x1E80]  }
0x95: {  	v43 =	vld [tilespmem:s22+$0x1E00]  }
0x96: {  	v44 =	vld [tilespmem:s22+$0x7E80]  }
0x97: {  	v5 =	vld [tilespmem:s22+$0x7E00]  }
0x98: {  	v6 =	vld [tilespmem:s22+$0x2080]  }
0x99: {  	v7 =	vld [tilespmem:s22+$0x1F80]  }
0x9a: {  	v8 =	vld [tilespmem:s22+$0x2000]  }
0x9b: {  	v9 =	vld [tilespmem:s22+$0x4E00]  }
0x9c: {  	v10 =	vld [tilespmem:s22+$0x4E80]  }
0x9d: {  	v11 =	vld [tilespmem:s22+$0x5080]  }
0x9e: {  	v12 =	vld [tilespmem:s22+$0x5100]  }
0x9f: {  	v13 =	vld [tilespmem:s22+$0x8080]  }
0xa0: {  	v14 =	vld [tilespmem:s22+$0x2100]  }
0xa1: {  	v15 =	vld [tilespmem:s22+$0x1F00]  }
0xa2: {  	v45 =	vld [tilespmem:s22+$0x8100]  }
0xa3: {  	v16 =	vld [tilespmem:s22+$0x2180]  }
0xa4: {  	v48 =	vld [tilespmem:s22+$0x5180]  }
0xa5: {  	v51 =	vld [tilespmem:s22+$0x8180]  }
0xa6: {  	v56 =	vld [tilespmem:s22+$0x5000];
	v9 =	vmul.f32 v9, v0;
	v3 =	vmul.f32 v43, v1  }
0xa7: {  	v53 =	vld [tilespmem:s22+$0x4F00];
	v10 =	vmul.f32 v10, v0;
	v2 =	vmul.f32 v2, v1  }
0xa8: {  	v55 =	vld [tilespmem:s22+$0x4F80];
	v47 =	vmul.f32 v11, v0;
	v49 =	vmul.f32 v6, v1  }
0xa9: {  	v58 =	vld [tilespmem:s22+$0x8000];
	v12 =	vmul.f32 v12, v0;
	v57 =	vmul.f32 v14, v1;
	v5 =	vadd.f32 v9, v5  }
0xaa: {  	v54 =	vld [tilespmem:s22+$0x7F00];
	v11 =	vmul.f32 v48, v0;
	v60 =	vmul.f32 v16, v1;
	v4 =	vadd.f32 v10, v44  }
0xab: {  	v46 =	vld [tilespmem:s22+$0x7F80];
	v61 =	vmul.f32 v56, v0;
	v50 =	vadd.f32 v47, v13;
	v3 =	vadd.f32 v3, v5  }
0xac: {  	v63 =	vmul.f32 v8, v1;
	v9 =	vadd.f32 v12, v45;
	v2 =	vadd.f32 v2, v4  }
0xad: {  	v6 =	vadd.f32 v11, v51;
	v52 =	vadd.f32 v49, v50;
	[tilespmem:s22+$0xAE00] =	vst v3;
	v3 =	vmul.f32 v53, v0  }
0xae: {  	v9 =	vadd.f32 v57, v9;
	[tilespmem:s22+$0xAE80] =	vst v2;
	v2 =	vmul.f32 v55, v0;
	v0 =	vadd.f32 v61, v58  }
0xaf: {  	v59 =	vmul.f32 v15, v1;
	v6 =	vadd.f32 v60, v6;
	[tilespmem:s22+$0xB080] =	vst v52;
	v3 =	vadd.f32 v3, v54  }
0xb0: {  	v62 =	vmul.f32 v7, v1;
	[tilespmem:s22+$0xB100] =	vst v9;
	v2 =	vadd.f32 v2, v46;
	v0 =	vadd.f32 v63, v0  }
0xb1: {  	[tilespmem:s22+$0xB180] =	vst v6;
	v3 =	vadd.f32 v59, v3  }
0xb2: {  	s21 =	sadd.s32 $0x1, s21;
	v2 =	vadd.f32 v62, v2;
	[tilespmem:s22+$0xB000] =	vst v0  }
0xb3: {  	p0 =	sne.s32 s21, s8;
	[tilespmem:s22+$0xAF00] =	vst v3  }
.Ltmp1:
0xb4: {  	[tilespmem:s22+$0xAF80] =	vst v2;
	(pc) =	sbr.rel @p0 .LBB2_1-.Ltmp1, $4  }
0xb5: {  	[hbm4b:s7+s2] =	stream.linear.scatter [tilespmem:s19], [sflag:$0x2], $0x3000, $0x38;
	[tilespmem:$0xC600] =	vst v63  }
0xb6: {  	_ =	swait.ge [sflag:s20], $0x3000  }
0xb7: {  	[sflag:s20] =	ssyncset.done $0x0  }
0xb8: {  	[sflag:s20] =	ssyncadd.s32 $0xFFFFD000  }
0xb9: {  	_ =	sfence.sel $0x180000  }
0xba: {  	[bflag:$0x0] =	sbarrier.arrive $0xFFFF  }
0xbb: {  	p0 =	sne.s32 s0, $0x0;
	_ =	strace $0x90000047  }
0xbc: {  	s0 =	sadd.s32 @!p0 $0x100000, s1;
	[bflag:$0x2] =	sbarrier.arrive $0xFFFF  }
0xbd: {  	[sflag:s0] =	ssyncadd.tile.s32 @!p0 $0x1;
	_ =	shalt  }
.Lfunc_end2:
_tile_overlayer_lowered:
.L_overlay_start_2:
0xbe: {  	(tag) =	ssettag $0x2  }
0xbf: {  	s0 =	rddreg [dreg:$0x0];
	s2 =	stileid.u32  }
0xc0: {  	s1 =	rddreg [dreg:$0x1];
	p0 =	sne.s32 s2, $0x0  }
0xc1: {  	s3 =	rddreg [dreg:$0x2];
	[bflag:$0x3] =	sbarrier.arrive $0xFFFF;
	s2 =	simm.s32 @!p0 $0x1C05  }
0xc2: {  	[timem:s3], [sflag:s2] =	dma.local @!p0 [hbm:s0], s1  }
0xc3: {  	s0 =	simm.s32 @!p0 $0x5  }
0xc4: {  	_ =	swait.ge @!p0 [sflag:s0], s1  }
0xc5: {  	s1 =	ssub.s32 @!p0 $0x0, s1;
	[sflag:s0] =	ssyncset.done @!p0 $0x0  }
0xc6: {  	[sflag:s0] =	ssyncadd.s32 @!p0 s1  }
0xc7: {  	[bflag:$0x3] =	sbarrier.arrive $0xFFFF  }
0xc8: {  	_ =	shalt  }

</sc_bundles>
